<compile_context>
chip_gen: v7x
topology: tpu7x:2x2x1
jax: 0.10.2.dev20260603
libtpu: 0.0.44.dev20260713+nightly
codegen_flags: <defaults>
</compile_context>

<pallas_src>
import functools

import jax
import jax.numpy as jnp
from jax import lax
from jax.experimental import pallas as pl
from jax.experimental.pallas import tpu as pltpu
from jax.experimental.pallas import tpu_sc as plsc

NC = 2
NS = 16
NW = NC * NS
K = 128


def _matmul_tc(x, w):
  def body(x_ref, w_ref, o_ref):
    o_ref[...] = lax.dot_general(
        x_ref[...], w_ref[...], (((1,), (1,)), ((), ())),
        preferred_element_type=jnp.float32)
  return pl.pallas_call(
      body,
      out_shape=jax.ShapeDtypeStruct((x.shape[0], w.shape[0]), jnp.float32),
  )(x, w)


def _combine_relu_tc(p, sw, agg0, agg1, b):
  def body(p_ref, sw_ref, a0_ref, a1_ref, b_ref, o_ref):
    o_ref[...] = jnp.maximum(
        p_ref[...] * (sw_ref[...] + 1.0) + a0_ref[...] + a1_ref[...]
        + b_ref[...], 0.0)
  return pl.pallas_call(
      body,
      out_shape=jax.ShapeDtypeStruct(p.shape, jnp.float32),
  )(p, sw, agg0, agg1, b.reshape(1, -1))


def _final_tc(x, sw, agg0, agg1, w2, b2):
  def body(x_ref, sw_ref, a0_ref, a1_ref, w_ref, b_ref, o_ref):
    t = x_ref[...] * (sw_ref[...] + 1.0) + a0_ref[...] + a1_ref[...]
    o_ref[...] = lax.dot_general(
        t, w_ref[...], (((1,), (1,)), ((), ())),
        preferred_element_type=jnp.float32) + b_ref[...]
  return pl.pallas_call(
      body,
      out_shape=jax.ShapeDtypeStruct((x.shape[0], w2.shape[0]), jnp.float32),
  )(x, sw, agg0, agg1, w2, b2.reshape(1, -1))


@functools.lru_cache(maxsize=None)
def _make_edge_agg(Np, H, CH):
  rpt = Np // NS
  mesh = plsc.VectorSubcoreMesh(core_axis_name="c", subcore_axis_name="s")

  @functools.partial(
      pl.kernel,
      out_type=jax.ShapeDtypeStruct((NC, Np, H), jnp.float32),
      mesh=mesh,
      scratch_types=[
          pltpu.VMEM_SHARED((Np, H), jnp.float32),
          pltpu.VMEM((CH, K), jnp.int32),
          pltpu.VMEM((CH, K), jnp.int32),
          pltpu.VMEM((CH, K), jnp.float32),
          pltpu.VMEM((K, H), jnp.float32),
      ],
      compiler_params=pltpu.CompilerParams(use_tc_tiling_on_sc=False),
  )
  def edge_agg(table_h, src_h, dst_h, ew_h, z_h, out_h,
               acc, idx_s, idx_d, wts, rows):
    c = lax.axis_index("c")
    s = lax.axis_index("s")
    wid = c * NS + s
    pltpu.sync_copy(z_h.at[pl.ds(s * rpt, rpt)], acc.at[pl.ds(s * rpt, rpt)])
    pltpu.sync_copy(src_h.at[wid], idx_s)
    pltpu.sync_copy(dst_h.at[wid], idx_d)
    pltpu.sync_copy(ew_h.at[wid], wts)
    plsc.subcore_barrier()

    def chunk(j, carry):
      pltpu.sync_copy(table_h.at[idx_s.at[j]], rows)

      def group(g, carry2):
        wv = wts[j, pl.ds(g * 16, 16)]
        base = g * 16
        for i in range(16):
          e = base + i
          rows[e] = rows[e] * wv[i]
        return carry2

      lax.fori_loop(0, K // 16, group, 0)
      pltpu.sync_copy(rows, acc.at[idx_d.at[j]], add=True)
      return carry

    lax.fori_loop(0, CH, chunk, 0)
    plsc.subcore_barrier()
    pltpu.sync_copy(acc.at[pl.ds(s * rpt, rpt)],
                    out_h.at[c, pl.ds(s * rpt, rpt)])

  return edge_agg


def kernel(features, edge_index, edge_weight, self_weight, W1, b1, W2, b2):
  N, D = features.shape
  H1 = W1.shape[0]
  E = edge_index.shape[1]

  per_w = -(-E // NW)
  CH = -(-(-(-per_w // K)) // 8) * 8
  Ep = NW * CH * K
  pad = Ep - E
  Np = -(-N // (NS * 8)) * (NS * 8)

  src = edge_index[0]
  dst = edge_index[1]
  ew1 = edge_weight[:, 0] + 1.0
  src_r = jnp.concatenate([src, jnp.zeros((pad,), jnp.int32)]).reshape(NW, CH, K)
  dst_r = jnp.concatenate([dst, jnp.zeros((pad,), jnp.int32)]).reshape(NW, CH, K)
  ew_r = jnp.concatenate([ew1, jnp.zeros((pad,), jnp.float32)]).reshape(NW, CH, K)
  zeros_nh = jnp.zeros((Np, H1), jnp.float32)

  edge_agg = _make_edge_agg(Np, H1, CH)

  p1 = _matmul_tc(features, W1)
  agg1 = edge_agg(p1, src_r, dst_r, ew_r, zeros_nh)
  x = _combine_relu_tc(p1, self_weight, agg1[0, :N], agg1[1, :N], b1)
  agg2 = edge_agg(x, src_r, dst_r, ew_r, zeros_nh)
  out = _final_tc(x, self_weight, agg2[0, :N], agg2[1, :N], W2, b2)
  return out

# --- scband reference (transcript-rebuilt; emitter-appended) ---
"""Pipeline reference for scband-net-22101901705839 (READ-ONLY COPY).

The authoritative reference and input builder live on the scoring server;
editing this copy changes nothing except your own understanding.
"""

import jax, jax.numpy as jnp
import numpy as np

N = 10000
E = 320000
D = 128
H1 = 16
H2 = 2

def setup_inputs(seed: int = 0) -> dict:
    key = jax.random.key(seed)
    ks = jax.random.split(key, 8)
    features = jax.random.normal(ks[0], (N, D), dtype=jnp.float32)
    edge_index = jax.random.randint(ks[1], (2, E), 0, N, dtype=jnp.int32)
    edge_weight = jax.random.uniform(ks[2], (E, 1), dtype=jnp.float32)
    self_weight = jax.random.uniform(ks[3], (N, 1), dtype=jnp.float32)
    # Linear layer parameters (torch nn.Linear: y = x @ W.T + b)
    W1 = jax.random.normal(ks[4], (H1, D), dtype=jnp.float32) / np.sqrt(D)
    b1 = jnp.zeros((H1,), dtype=jnp.float32)
    W2 = jax.random.normal(ks[5], (H2, H1), dtype=jnp.float32) / np.sqrt(H1)
    b2 = jnp.zeros((H2,), dtype=jnp.float32)
    return {"features": features, "edge_index": edge_index, "edge_weight": edge_weight,
            "self_weight": self_weight, "W1": W1, "b1": b1, "W2": W2, "b2": b2}

def _gcn_layer(h, src, dst, edge_weight, self_weight, W, b):
    # send_source: m = h[src], w = edge weight
    m = jnp.take(h, src, axis=0)
    # simple_reduce: h = h * (self_weight + 1) + sum_j (w_j + 1) * m_j
    weighted = (edge_weight + 1.0) * m
    agg = jax.ops.segment_sum(weighted, dst, num_segments=h.shape[0])
    h_new = h * (self_weight + 1.0) + agg
    # linear
    return h_new @ W.T + b

def reference(features, edge_index, edge_weight, self_weight, W1, b1, W2, b2):
    src = edge_index[0]
    dst = edge_index[1]
    x = jax.nn.relu(_gcn_layer(features, src, dst, edge_weight, self_weight, W1, b1))
    x = _gcn_layer(x, src, dst, edge_weight, self_weight, W2, b2)
    return x

if __name__ == "__main__":
    import jax
    _d = setup_inputs()
    print(jax.jit(kernel)(*tuple(_d.values())))

</pallas_src>

<mosaic_0001>
#map = affine_map<(d0, d1) -> (0, 0)>
#map1 = affine_map<(d0, d1) -> (0, 0, 0)>
module attributes {stable_mosaic.version = 14 : i64} {
  func.func @edge_agg(%arg0: i32, %arg1: i32, %arg2: memref<10000x16xf32, #tpu.memory_space<hbm>>, %arg3: memref<32x80x128xi32, #tpu.memory_space<hbm>>, %arg4: memref<32x80x128xi32, #tpu.memory_space<hbm>>, %arg5: memref<32x80x128xf32, #tpu.memory_space<hbm>>, %arg6: memref<10112x16xf32, #tpu.memory_space<hbm>>, %arg7: memref<2x10112x16xf32, #tpu.memory_space<hbm>>, %arg8: memref<10112x16xf32, #tpu.memory_space<vmem_shared>>, %arg9: memref<80x128xi32, #tpu.memory_space<vmem>>, %arg10: memref<80x128xi32, #tpu.memory_space<vmem>>, %arg11: memref<80x128xf32, #tpu.memory_space<vmem>>, %arg12: memref<128x16xf32, #tpu.memory_space<vmem>>) attributes {dimension_semantics = [#tpu.dimension_semantics<core_parallel>, #tpu.dimension_semantics<subcore_parallel>], iteration_bounds = array<i64: 2, 16>, scalar_prefetch = 0 : i64, scratch_operands = 5 : i64, tpu.core_type = #tpu.core_type<sc_vector_subcore>, window_params = [{transform_indices = #map}, {transform_indices = #map1}, {transform_indices = #map1}, {transform_indices = #map1}, {transform_indices = #map}, {transform_indices = #map1}]} {
    %mul3A = arith.constant 16 : i32
    %mul3A_0 = arith.muli %arg0, %mul3A : i32
    %add3A = arith.addi %mul3A_0, %arg1 : i32
    %mul3A_1 = arith.constant 632 : i32
    %mul3A_2 = arith.muli %arg1, %mul3A_1 : i32
    %mul3A_3 = arith.constant 632 : i32
    %mul3A_4 = arith.muli %arg1, %mul3A_3 : i32
    "tpu.region"() ({
      %run_scoped3A = tpu.sem_alloc : memref<!tpu.dma_semaphore, #tpu.memory_space<semaphore_mem>>
      %dma_start3A = arith.constant 0 : i32
      %dma_start3A_15 = tpu.memref_slice %arg8[%mul3A_4, %dma_start3A] : memref<10112x16xf32, #tpu.memory_space<vmem_shared>> -> memref<632x16xf32, #tpu.memory_space<vmem_shared>>
      %dma_start3A_16 = arith.constant 0 : i32
      %dma_start3A_17 = tpu.memref_slice %arg6[%mul3A_2, %dma_start3A_16] : memref<10112x16xf32, #tpu.memory_space<hbm>> -> memref<632x16xf32, #tpu.memory_space<hbm>>
      tpu.enqueue_dma source(%dma_start3A_17 : memref<632x16xf32, #tpu.memory_space<hbm>>) target(%dma_start3A_15 : memref<632x16xf32, #tpu.memory_space<vmem_shared>>) target_semaphore(%run_scoped3A : memref<!tpu.dma_semaphore, #tpu.memory_space<semaphore_mem>>)
      %dma_wait3A = arith.constant 0 : i32
      %dma_wait3A_18 = tpu.memref_slice %arg8[%mul3A_4, %dma_wait3A] : memref<10112x16xf32, #tpu.memory_space<vmem_shared>> -> memref<632x16xf32, #tpu.memory_space<vmem_shared>>
      %dma_wait3A_19 = arith.constant 0 : i32
      %dma_wait3A_20 = tpu.memref_slice %arg6[%mul3A_2, %dma_wait3A_19] : memref<10112x16xf32, #tpu.memory_space<hbm>> -> memref<632x16xf32, #tpu.memory_space<hbm>>
      tpu.wait_dma2 semaphore(%run_scoped3A : memref<!tpu.dma_semaphore, #tpu.memory_space<semaphore_mem>>) src(%dma_wait3A_20 : memref<632x16xf32, #tpu.memory_space<hbm>>) dst(%dma_wait3A_18 : memref<632x16xf32, #tpu.memory_space<vmem_shared>>)
      tpu.yield
    }) : () -> ()
    "tpu.region"() ({
      %run_scoped3A = tpu.sem_alloc : memref<!tpu.dma_semaphore, #tpu.memory_space<semaphore_mem>>
      %dma_start3A = arith.constant 0 : i32
      %dma_start3A_15 = arith.constant 0 : i32
      %dma_start3A_16 = tpu.memref_slice %arg3[%add3A, %dma_start3A, %dma_start3A_15] : memref<32x80x128xi32, #tpu.memory_space<hbm>> -> memref<1x80x128xi32, #tpu.memory_space<hbm>>
      %dma_start3A_17 = tpu.memref_squeeze %dma_start3A_16 : memref<1x80x128xi32, #tpu.memory_space<hbm>> -> memref<80x128xi32, #tpu.memory_space<hbm>>
      %dma_start3A_18 = arith.constant 0 : i32
      %dma_start3A_19 = arith.constant 0 : i32
      %dma_start3A_20 = tpu.memref_slice %arg3[%add3A, %dma_start3A_18, %dma_start3A_19] : memref<32x80x128xi32, #tpu.memory_space<hbm>> -> memref<1x80x128xi32, #tpu.memory_space<hbm>>
      %dma_start3A_21 = tpu.memref_squeeze %dma_start3A_20 : memref<1x80x128xi32, #tpu.memory_space<hbm>> -> memref<80x128xi32, #tpu.memory_space<hbm>>
      tpu.enqueue_dma source(%dma_start3A_21 : memref<80x128xi32, #tpu.memory_space<hbm>>) target(%arg9 : memref<80x128xi32, #tpu.memory_space<vmem>>) target_semaphore(%run_scoped3A : memref<!tpu.dma_semaphore, #tpu.memory_space<semaphore_mem>>)
      %dma_wait3A = arith.constant 0 : i32
      %dma_wait3A_22 = arith.constant 0 : i32
      %dma_wait3A_23 = tpu.memref_slice %arg3[%add3A, %dma_wait3A, %dma_wait3A_22] : memref<32x80x128xi32, #tpu.memory_space<hbm>> -> memref<1x80x128xi32, #tpu.memory_space<hbm>>
      %dma_wait3A_24 = tpu.memref_squeeze %dma_wait3A_23 : memref<1x80x128xi32, #tpu.memory_space<hbm>> -> memref<80x128xi32, #tpu.memory_space<hbm>>
      %dma_wait3A_25 = arith.constant 0 : i32
      %dma_wait3A_26 = arith.constant 0 : i32
      %dma_wait3A_27 = tpu.memref_slice %arg3[%add3A, %dma_wait3A_25, %dma_wait3A_26] : memref<32x80x128xi32, #tpu.memory_space<hbm>> -> memref<1x80x128xi32, #tpu.memory_space<hbm>>
      %dma_wait3A_28 = tpu.memref_squeeze %dma_wait3A_27 : memref<1x80x128xi32, #tpu.memory_space<hbm>> -> memref<80x128xi32, #tpu.memory_space<hbm>>
      tpu.wait_dma2 semaphore(%run_scoped3A : memref<!tpu.dma_semaphore, #tpu.memory_space<semaphore_mem>>) src(%dma_wait3A_28 : memref<80x128xi32, #tpu.memory_space<hbm>>) dst(%arg9 : memref<80x128xi32, #tpu.memory_space<vmem>>)
      tpu.yield
    }) : () -> ()
    "tpu.region"() ({
      %run_scoped3A = tpu.sem_alloc : memref<!tpu.dma_semaphore, #tpu.memory_space<semaphore_mem>>
      %dma_start3A = arith.constant 0 : i32
      %dma_start3A_15 = arith.constant 0 : i32
      %dma_start3A_16 = tpu.memref_slice %arg4[%add3A, %dma_start3A, %dma_start3A_15] : memref<32x80x128xi32, #tpu.memory_space<hbm>> -> memref<1x80x128xi32, #tpu.memory_space<hbm>>
      %dma_start3A_17 = tpu.memref_squeeze %dma_start3A_16 : memref<1x80x128xi32, #tpu.memory_space<hbm>> -> memref<80x128xi32, #tpu.memory_space<hbm>>
      %dma_start3A_18 = arith.constant 0 : i32
      %dma_start3A_19 = arith.constant 0 : i32
      %dma_start3A_20 = tpu.memref_slice %arg4[%add3A, %dma_start3A_18, %dma_start3A_19] : memref<32x80x128xi32, #tpu.memory_space<hbm>> -> memref<1x80x128xi32, #tpu.memory_space<hbm>>
      %dma_start3A_21 = tpu.memref_squeeze %dma_start3A_20 : memref<1x80x128xi32, #tpu.memory_space<hbm>> -> memref<80x128xi32, #tpu.memory_space<hbm>>
      tpu.enqueue_dma source(%dma_start3A_21 : memref<80x128xi32, #tpu.memory_space<hbm>>) target(%arg10 : memref<80x128xi32, #tpu.memory_space<vmem>>) target_semaphore(%run_scoped3A : memref<!tpu.dma_semaphore, #tpu.memory_space<semaphore_mem>>)
      %dma_wait3A = arith.constant 0 : i32
      %dma_wait3A_22 = arith.constant 0 : i32
      %dma_wait3A_23 = tpu.memref_slice %arg4[%add3A, %dma_wait3A, %dma_wait3A_22] : memref<32x80x128xi32, #tpu.memory_space<hbm>> -> memref<1x80x128xi32, #tpu.memory_space<hbm>>
      %dma_wait3A_24 = tpu.memref_squeeze %dma_wait3A_23 : memref<1x80x128xi32, #tpu.memory_space<hbm>> -> memref<80x128xi32, #tpu.memory_space<hbm>>
      %dma_wait3A_25 = arith.constant 0 : i32
      %dma_wait3A_26 = arith.constant 0 : i32
      %dma_wait3A_27 = tpu.memref_slice %arg4[%add3A, %dma_wait3A_25, %dma_wait3A_26] : memref<32x80x128xi32, #tpu.memory_space<hbm>> -> memref<1x80x128xi32, #tpu.memory_space<hbm>>
      %dma_wait3A_28 = tpu.memref_squeeze %dma_wait3A_27 : memref<1x80x128xi32, #tpu.memory_space<hbm>> -> memref<80x128xi32, #tpu.memory_space<hbm>>
      tpu.wait_dma2 semaphore(%run_scoped3A : memref<!tpu.dma_semaphore, #tpu.memory_space<semaphore_mem>>) src(%dma_wait3A_28 : memref<80x128xi32, #tpu.memory_space<hbm>>) dst(%arg10 : memref<80x128xi32, #tpu.memory_space<vmem>>)
      tpu.yield
    }) : () -> ()
    "tpu.region"() ({
      %run_scoped3A = tpu.sem_alloc : memref<!tpu.dma_semaphore, #tpu.memory_space<semaphore_mem>>
      %dma_start3A = arith.constant 0 : i32
      %dma_start3A_15 = arith.constant 0 : i32
      %dma_start3A_16 = tpu.memref_slice %arg5[%add3A, %dma_start3A, %dma_start3A_15] : memref<32x80x128xf32, #tpu.memory_space<hbm>> -> memref<1x80x128xf32, #tpu.memory_space<hbm>>
      %dma_start3A_17 = tpu.memref_squeeze %dma_start3A_16 : memref<1x80x128xf32, #tpu.memory_space<hbm>> -> memref<80x128xf32, #tpu.memory_space<hbm>>
      %dma_start3A_18 = arith.constant 0 : i32
      %dma_start3A_19 = arith.constant 0 : i32
      %dma_start3A_20 = tpu.memref_slice %arg5[%add3A, %dma_start3A_18, %dma_start3A_19] : memref<32x80x128xf32, #tpu.memory_space<hbm>> -> memref<1x80x128xf32, #tpu.memory_space<hbm>>
      %dma_start3A_21 = tpu.memref_squeeze %dma_start3A_20 : memref<1x80x128xf32, #tpu.memory_space<hbm>> -> memref<80x128xf32, #tpu.memory_space<hbm>>
      tpu.enqueue_dma source(%dma_start3A_21 : memref<80x128xf32, #tpu.memory_space<hbm>>) target(%arg11 : memref<80x128xf32, #tpu.memory_space<vmem>>) target_semaphore(%run_scoped3A : memref<!tpu.dma_semaphore, #tpu.memory_space<semaphore_mem>>)
      %dma_wait3A = arith.constant 0 : i32
      %dma_wait3A_22 = arith.constant 0 : i32
      %dma_wait3A_23 = tpu.memref_slice %arg5[%add3A, %dma_wait3A, %dma_wait3A_22] : memref<32x80x128xf32, #tpu.memory_space<hbm>> -> memref<1x80x128xf32, #tpu.memory_space<hbm>>
      %dma_wait3A_24 = tpu.memref_squeeze %dma_wait3A_23 : memref<1x80x128xf32, #tpu.memory_space<hbm>> -> memref<80x128xf32, #tpu.memory_space<hbm>>
      %dma_wait3A_25 = arith.constant 0 : i32
      %dma_wait3A_26 = arith.constant 0 : i32
      %dma_wait3A_27 = tpu.memref_slice %arg5[%add3A, %dma_wait3A_25, %dma_wait3A_26] : memref<32x80x128xf32, #tpu.memory_space<hbm>> -> memref<1x80x128xf32, #tpu.memory_space<hbm>>
      %dma_wait3A_28 = tpu.memref_squeeze %dma_wait3A_27 : memref<1x80x128xf32, #tpu.memory_space<hbm>> -> memref<80x128xf32, #tpu.memory_space<hbm>>
      tpu.wait_dma2 semaphore(%run_scoped3A : memref<!tpu.dma_semaphore, #tpu.memory_space<semaphore_mem>>) src(%dma_wait3A_28 : memref<80x128xf32, #tpu.memory_space<hbm>>) dst(%arg11 : memref<80x128xf32, #tpu.memory_space<vmem>>)
      tpu.yield
    }) : () -> ()
    %barrier3A = arith.constant 0 : index
    tpu.barrier barrier_id(%barrier3A)
    %scan3A = arith.constant 0 : i32
    %scan3A_5 = arith.constant 0 : i32
    %scan3A_6 = arith.constant 80 : i32
    %scan3A_7 = arith.addi %scan3A_5, %scan3A_6 : i32
    %scan3A_8 = arith.constant 1 : i32
    scf.for %scan3A_15 = %scan3A_5 to %scan3A_7 step %scan3A_8  : i32 {
      "tpu.region"() ({
        %run_scoped3A = tpu.sem_alloc : memref<!tpu.dma_semaphore, #tpu.memory_space<semaphore_mem>>
        %dma_start3A = arith.constant 0 : i32
        %dma_start3A_22 = tpu.memref_slice %arg9[%scan3A_15, %dma_start3A] : memref<80x128xi32, #tpu.memory_space<vmem>> -> memref<1x128xi32, #tpu.memory_space<vmem>>
        %dma_start3A_23 = tpu.memref_squeeze %dma_start3A_22 : memref<1x128xi32, #tpu.memory_space<vmem>> -> memref<128xi32, #tpu.memory_space<vmem>>
        %dma_start3A_24 = arith.constant 0 : i32
        %dma_start3A_25 = arith.constant 0 : i32
        %dma_start3A_26 = tpu.memref_slice %arg2[%dma_start3A_24, %dma_start3A_25] : memref<10000x16xf32, #tpu.memory_space<hbm>> -> memref<10000x16xf32, #tpu.memory_space<hbm>>
        tpu.enqueue_indirect_dma source(%dma_start3A_26 : memref<10000x16xf32, #tpu.memory_space<hbm>>) target(%arg12 : memref<128x16xf32, #tpu.memory_space<vmem>>) offsets(%dma_start3A_23 : memref<128xi32, #tpu.memory_space<vmem>>) semaphore(%run_scoped3A : memref<!tpu.dma_semaphore, #tpu.memory_space<semaphore_mem>>)
        %dma_wait3A = arith.constant 0 : i32
        %dma_wait3A_27 = tpu.memref_slice %arg9[%scan3A_15, %dma_wait3A] : memref<80x128xi32, #tpu.memory_space<vmem>> -> memref<1x128xi32, #tpu.memory_space<vmem>>
        %dma_wait3A_28 = tpu.memref_squeeze %dma_wait3A_27 : memref<1x128xi32, #tpu.memory_space<vmem>> -> memref<128xi32, #tpu.memory_space<vmem>>
        %dma_wait3A_29 = arith.constant 0 : i32
        %dma_wait3A_30 = arith.constant 0 : i32
        %dma_wait3A_31 = tpu.memref_slice %arg2[%dma_wait3A_29, %dma_wait3A_30] : memref<10000x16xf32, #tpu.memory_space<hbm>> -> memref<10000x16xf32, #tpu.memory_space<hbm>>
        tpu.wait_indirect_dma semaphore(%run_scoped3A : memref<!tpu.dma_semaphore, #tpu.memory_space<semaphore_mem>>) src(%dma_wait3A_31 : memref<10000x16xf32, #tpu.memory_space<hbm>>) dst(%arg12 : memref<128x16xf32, #tpu.memory_space<vmem>>)
        tpu.yield
      }) : () -> ()
      %scan3A_16 = arith.constant 0 : i32
      %scan3A_17 = arith.constant 0 : i32
      %scan3A_18 = arith.constant 8 : i32
      %scan3A_19 = arith.addi %scan3A_17, %scan3A_18 : i32
      %scan3A_20 = arith.constant 1 : i32
      scf.for %scan3A_22 = %scan3A_17 to %scan3A_19 step %scan3A_20  : i32 {
        %mul3A_23 = arith.constant 16 : i32
        %mul3A_24 = arith.muli %scan3A_22, %mul3A_23 : i32
        %get3A = arith.index_cast %scan3A_15 : i32 to index
        %get3A_25 = arith.index_cast %mul3A_24 : i32 to index
        %get3A_26 = tpu.vector_load %arg11[%get3A, %get3A_25] {strides = array<i32>} : memref<80x128xf32, #tpu.memory_space<vmem>>, vector<1x16xf32>,
        %get3A_27 = vector.shape_cast %get3A_26 : vector<1x16xf32> to vector<16xf32>
        %mul3A_28 = arith.constant 16 : i32
        %mul3A_29 = arith.muli %scan3A_22, %mul3A_28 : i32
        %add3A_30 = arith.constant 0 : i32
        %add3A_31 = arith.addi %mul3A_29, %add3A_30 : i32
        %get3A_32 = arith.index_cast %add3A_31 : i32 to index
        %get3A_33 = arith.constant 0 : index
        %get3A_34 = tpu.vector_load %arg12[%get3A_32, %get3A_33] {strides = array<i32>} : memref<128x16xf32, #tpu.memory_space<vmem>>, vector<1x16xf32>,
        %get3A_35 = vector.shape_cast %get3A_34 : vector<1x16xf32> to vector<16xf32>
        %slice3A = vector.extract_strided_slice %get3A_27 {offsets = [0], sizes = [1], strides = [1]} : vector<16xf32> to vector<1xf32>
        %squeeze3A = vector.extract %slice3A[0] : f32 from vector<1xf32>
        %mul3A_36 = vector.broadcast %squeeze3A : f32 to vector<16xf32>
        %mul3A_37 = arith.mulf %get3A_35, %mul3A_36 : vector<16xf32>
        %swap3A = arith.index_cast %add3A_31 : i32 to index
        %swap3A_38 = arith.constant 0 : index
        %swap3A_39 = tpu.vector_load %arg12[%swap3A, %swap3A_38] {strides = array<i32>} : memref<128x16xf32, #tpu.memory_space<vmem>>, vector<1x16xf32>,
        %swap3A_40 = vector.shape_cast %swap3A_39 : vector<1x16xf32> to vector<16xf32>
        %swap3A_41 = vector.shape_cast %mul3A_37 : vector<16xf32> to vector<1x16xf32>
        tpu.vector_store %arg12[%swap3A, %swap3A_38], %swap3A_41 {strides = array<i32>} : memref<128x16xf32, #tpu.memory_space<vmem>>, vector<1x16xf32>,
        %add3A_42 = arith.constant 1 : i32
        %add3A_43 = arith.addi %mul3A_29, %add3A_42 : i32
        %get3A_44 = arith.index_cast %add3A_43 : i32 to index
        %get3A_45 = arith.constant 0 : index
        %get3A_46 = tpu.vector_load %arg12[%get3A_44, %get3A_45] {strides = array<i32>} : memref<128x16xf32, #tpu.memory_space<vmem>>, vector<1x16xf32>,
        %get3A_47 = vector.shape_cast %get3A_46 : vector<1x16xf32> to vector<16xf32>
        %slice3A_48 = vector.extract_strided_slice %get3A_27 {offsets = [1], sizes = [1], strides = [1]} : vector<16xf32> to vector<1xf32>
        %squeeze3A_49 = vector.extract %slice3A_48[0] : f32 from vector<1xf32>
        %mul3A_50 = vector.broadcast %squeeze3A_49 : f32 to vector<16xf32>
        %mul3A_51 = arith.mulf %get3A_47, %mul3A_50 : vector<16xf32>
        %swap3A_52 = arith.index_cast %add3A_43 : i32 to index
        %swap3A_53 = arith.constant 0 : index
        %swap3A_54 = tpu.vector_load %arg12[%swap3A_52, %swap3A_53] {strides = array<i32>} : memref<128x16xf32, #tpu.memory_space<vmem>>, vector<1x16xf32>,
        %swap3A_55 = vector.shape_cast %swap3A_54 : vector<1x16xf32> to vector<16xf32>
        %swap3A_56 = vector.shape_cast %mul3A_51 : vector<16xf32> to vector<1x16xf32>
        tpu.vector_store %arg12[%swap3A_52, %swap3A_53], %swap3A_56 {strides = array<i32>} : memref<128x16xf32, #tpu.memory_space<vmem>>, vector<1x16xf32>,
        %add3A_57 = arith.constant 2 : i32
        %add3A_58 = arith.addi %mul3A_29, %add3A_57 : i32
        %get3A_59 = arith.index_cast %add3A_58 : i32 to index
        %get3A_60 = arith.constant 0 : index
        %get3A_61 = tpu.vector_load %arg12[%get3A_59, %get3A_60] {strides = array<i32>} : memref<128x16xf32, #tpu.memory_space<vmem>>, vector<1x16xf32>,
        %get3A_62 = vector.shape_cast %get3A_61 : vector<1x16xf32> to vector<16xf32>
        %slice3A_63 = vector.extract_strided_slice %get3A_27 {offsets = [2], sizes = [1], strides = [1]} : vector<16xf32> to vector<1xf32>
        %squeeze3A_64 = vector.extract %slice3A_63[0] : f32 from vector<1xf32>
        %mul3A_65 = vector.broadcast %squeeze3A_64 : f32 to vector<16xf32>
        %mul3A_66 = arith.mulf %get3A_62, %mul3A_65 : vector<16xf32>
        %swap3A_67 = arith.index_cast %add3A_58 : i32 to index
        %swap3A_68 = arith.constant 0 : index
        %swap3A_69 = tpu.vector_load %arg12[%swap3A_67, %swap3A_68] {strides = array<i32>} : memref<128x16xf32, #tpu.memory_space<vmem>>, vector<1x16xf32>,
        %swap3A_70 = vector.shape_cast %swap3A_69 : vector<1x16xf32> to vector<16xf32>
        %swap3A_71 = vector.shape_cast %mul3A_66 : vector<16xf32> to vector<1x16xf32>
        tpu.vector_store %arg12[%swap3A_67, %swap3A_68], %swap3A_71 {strides = array<i32>} : memref<128x16xf32, #tpu.memory_space<vmem>>, vector<1x16xf32>,
        %add3A_72 = arith.constant 3 : i32
        %add3A_73 = arith.addi %mul3A_29, %add3A_72 : i32
        %get3A_74 = arith.index_cast %add3A_73 : i32 to index
        %get3A_75 = arith.constant 0 : index
        %get3A_76 = tpu.vector_load %arg12[%get3A_74, %get3A_75] {strides = array<i32>} : memref<128x16xf32, #tpu.memory_space<vmem>>, vector<1x16xf32>,
        %get3A_77 = vector.shape_cast %get3A_76 : vector<1x16xf32> to vector<16xf32>
        %slice3A_78 = vector.extract_strided_slice %get3A_27 {offsets = [3], sizes = [1], strides = [1]} : vector<16xf32> to vector<1xf32>
        %squeeze3A_79 = vector.extract %slice3A_78[0] : f32 from vector<1xf32>
        %mul3A_80 = vector.broadcast %squeeze3A_79 : f32 to vector<16xf32>
        %mul3A_81 = arith.mulf %get3A_77, %mul3A_80 : vector<16xf32>
        %swap3A_82 = arith.index_cast %add3A_73 : i32 to index
        %swap3A_83 = arith.constant 0 : index
        %swap3A_84 = tpu.vector_load %arg12[%swap3A_82, %swap3A_83] {strides = array<i32>} : memref<128x16xf32, #tpu.memory_space<vmem>>, vector<1x16xf32>,
        %swap3A_85 = vector.shape_cast %swap3A_84 : vector<1x16xf32> to vector<16xf32>
        %swap3A_86 = vector.shape_cast %mul3A_81 : vector<16xf32> to vector<1x16xf32>
        tpu.vector_store %arg12[%swap3A_82, %swap3A_83], %swap3A_86 {strides = array<i32>} : memref<128x16xf32, #tpu.memory_space<vmem>>, vector<1x16xf32>,
        %add3A_87 = arith.constant 4 : i32
        %add3A_88 = arith.addi %mul3A_29, %add3A_87 : i32
        %get3A_89 = arith.index_cast %add3A_88 : i32 to index
        %get3A_90 = arith.constant 0 : index
        %get3A_91 = tpu.vector_load %arg12[%get3A_89, %get3A_90] {strides = array<i32>} : memref<128x16xf32, #tpu.memory_space<vmem>>, vector<1x16xf32>,
        %get3A_92 = vector.shape_cast %get3A_91 : vector<1x16xf32> to vector<16xf32>
        %slice3A_93 = vector.extract_strided_slice %get3A_27 {offsets = [4], sizes = [1], strides = [1]} : vector<16xf32> to vector<1xf32>
        %squeeze3A_94 = vector.extract %slice3A_93[0] : f32 from vector<1xf32>
        %mul3A_95 = vector.broadcast %squeeze3A_94 : f32 to vector<16xf32>
        %mul3A_96 = arith.mulf %get3A_92, %mul3A_95 : vector<16xf32>
        %swap3A_97 = arith.index_cast %add3A_88 : i32 to index
        %swap3A_98 = arith.constant 0 : index
        %swap3A_99 = tpu.vector_load %arg12[%swap3A_97, %swap3A_98] {strides = array<i32>} : memref<128x16xf32, #tpu.memory_space<vmem>>, vector<1x16xf32>,
        %swap3A_100 = vector.shape_cast %swap3A_99 : vector<1x16xf32> to vector<16xf32>
        %swap3A_101 = vector.shape_cast %mul3A_96 : vector<16xf32> to vector<1x16xf32>
        tpu.vector_store %arg12[%swap3A_97, %swap3A_98], %swap3A_101 {strides = array<i32>} : memref<128x16xf32, #tpu.memory_space<vmem>>, vector<1x16xf32>,
        %add3A_102 = arith.constant 5 : i32
        %add3A_103 = arith.addi %mul3A_29, %add3A_102 : i32
        %get3A_104 = arith.index_cast %add3A_103 : i32 to index
        %get3A_105 = arith.constant 0 : index
        %get3A_106 = tpu.vector_load %arg12[%get3A_104, %get3A_105] {strides = array<i32>} : memref<128x16xf32, #tpu.memory_space<vmem>>, vector<1x16xf32>,
        %get3A_107 = vector.shape_cast %get3A_106 : vector<1x16xf32> to vector<16xf32>
        %slice3A_108 = vector.extract_strided_slice %get3A_27 {offsets = [5], sizes = [1], strides = [1]} : vector<16xf32> to vector<1xf32>
        %squeeze3A_109 = vector.extract %slice3A_108[0] : f32 from vector<1xf32>
        %mul3A_110 = vector.broadcast %squeeze3A_109 : f32 to vector<16xf32>
        %mul3A_111 = arith.mulf %get3A_107, %mul3A_110 : vector<16xf32>
        %swap3A_112 = arith.index_cast %add3A_103 : i32 to index
        %swap3A_113 = arith.constant 0 : index
        %swap3A_114 = tpu.vector_load %arg12[%swap3A_112, %swap3A_113] {strides = array<i32>} : memref<128x16xf32, #tpu.memory_space<vmem>>, vector<1x16xf32>,
        %swap3A_115 = vector.shape_cast %swap3A_114 : vector<1x16xf32> to vector<16xf32>
        %swap3A_116 = vector.shape_cast %mul3A_111 : vector<16xf32> to vector<1x16xf32>
        tpu.vector_store %arg12[%swap3A_112, %swap3A_113], %swap3A_116 {strides = array<i32>} : memref<128x16xf32, #tpu.memory_space<vmem>>, vector<1x16xf32>,
        %add3A_117 = arith.constant 6 : i32
        %add3A_118 = arith.addi %mul3A_29, %add3A_117 : i32
        %get3A_119 = arith.index_cast %add3A_118 : i32 to index
        %get3A_120 = arith.constant 0 : index
        %get3A_121 = tpu.vector_load %arg12[%get3A_119, %get3A_120] {strides = array<i32>} : memref<128x16xf32, #tpu.memory_space<vmem>>, vector<1x16xf32>,
        %get3A_122 = vector.shape_cast %get3A_121 : vector<1x16xf32> to vector<16xf32>
        %slice3A_123 = vector.extract_strided_slice %get3A_27 {offsets = [6], sizes = [1], strides = [1]} : vector<16xf32> to vector<1xf32>
        %squeeze3A_124 = vector.extract %slice3A_123[0] : f32 from vector<1xf32>
        %mul3A_125 = vector.broadcast %squeeze3A_124 : f32 to vector<16xf32>
        %mul3A_126 = arith.mulf %get3A_122, %mul3A_125 : vector<16xf32>
        %swap3A_127 = arith.index_cast %add3A_118 : i32 to index
        %swap3A_128 = arith.constant 0 : index
        %swap3A_129 = tpu.vector_load %arg12[%swap3A_127, %swap3A_128] {strides = array<i32>} : memref<128x16xf32, #tpu.memory_space<vmem>>, vector<1x16xf32>,
        %swap3A_130 = vector.shape_cast %swap3A_129 : vector<1x16xf32> to vector<16xf32>
        %swap3A_131 = vector.shape_cast %mul3A_126 : vector<16xf32> to vector<1x16xf32>
        tpu.vector_store %arg12[%swap3A_127, %swap3A_128], %swap3A_131 {strides = array<i32>} : memref<128x16xf32, #tpu.memory_space<vmem>>, vector<1x16xf32>,
        %add3A_132 = arith.constant 7 : i32
        %add3A_133 = arith.addi %mul3A_29, %add3A_132 : i32
        %get3A_134 = arith.index_cast %add3A_133 : i32 to index
        %get3A_135 = arith.constant 0 : index
        %get3A_136 = tpu.vector_load %arg12[%get3A_134, %get3A_135] {strides = array<i32>} : memref<128x16xf32, #tpu.memory_space<vmem>>, vector<1x16xf32>,
        %get3A_137 = vector.shape_cast %get3A_136 : vector<1x16xf32> to vector<16xf32>
        %slice3A_138 = vector.extract_strided_slice %get3A_27 {offsets = [7], sizes = [1], strides = [1]} : vector<16xf32> to vector<1xf32>
        %squeeze3A_139 = vector.extract %slice3A_138[0] : f32 from vector<1xf32>
        %mul3A_140 = vector.broadcast %squeeze3A_139 : f32 to vector<16xf32>
        %mul3A_141 = arith.mulf %get3A_137, %mul3A_140 : vector<16xf32>
        %swap3A_142 = arith.index_cast %add3A_133 : i32 to index
        %swap3A_143 = arith.constant 0 : index
        %swap3A_144 = tpu.vector_load %arg12[%swap3A_142, %swap3A_143] {strides = array<i32>} : memref<128x16xf32, #tpu.memory_space<vmem>>, vector<1x16xf32>,
        %swap3A_145 = vector.shape_cast %swap3A_144 : vector<1x16xf32> to vector<16xf32>
        %swap3A_146 = vector.shape_cast %mul3A_141 : vector<16xf32> to vector<1x16xf32>
        tpu.vector_store %arg12[%swap3A_142, %swap3A_143], %swap3A_146 {strides = array<i32>} : memref<128x16xf32, #tpu.memory_space<vmem>>, vector<1x16xf32>,
        %add3A_147 = arith.constant 8 : i32
        %add3A_148 = arith.addi %mul3A_29, %add3A_147 : i32
        %get3A_149 = arith.index_cast %add3A_148 : i32 to index
        %get3A_150 = arith.constant 0 : index
        %get3A_151 = tpu.vector_load %arg12[%get3A_149, %get3A_150] {strides = array<i32>} : memref<128x16xf32, #tpu.memory_space<vmem>>, vector<1x16xf32>,
        %get3A_152 = vector.shape_cast %get3A_151 : vector<1x16xf32> to vector<16xf32>
        %slice3A_153 = vector.extract_strided_slice %get3A_27 {offsets = [8], sizes = [1], strides = [1]} : vector<16xf32> to vector<1xf32>
        %squeeze3A_154 = vector.extract %slice3A_153[0] : f32 from vector<1xf32>
        %mul3A_155 = vector.broadcast %squeeze3A_154 : f32 to vector<16xf32>
        %mul3A_156 = arith.mulf %get3A_152, %mul3A_155 : vector<16xf32>
        %swap3A_157 = arith.index_cast %add3A_148 : i32 to index
        %swap3A_158 = arith.constant 0 : index
        %swap3A_159 = tpu.vector_load %arg12[%swap3A_157, %swap3A_158] {strides = array<i32>} : memref<128x16xf32, #tpu.memory_space<vmem>>, vector<1x16xf32>,
        %swap3A_160 = vector.shape_cast %swap3A_159 : vector<1x16xf32> to vector<16xf32>
        %swap3A_161 = vector.shape_cast %mul3A_156 : vector<16xf32> to vector<1x16xf32>
        tpu.vector_store %arg12[%swap3A_157, %swap3A_158], %swap3A_161 {strides = array<i32>} : memref<128x16xf32, #tpu.memory_space<vmem>>, vector<1x16xf32>,
        %add3A_162 = arith.constant 9 : i32
        %add3A_163 = arith.addi %mul3A_29, %add3A_162 : i32
        %get3A_164 = arith.index_cast %add3A_163 : i32 to index
        %get3A_165 = arith.constant 0 : index
        %get3A_166 = tpu.vector_load %arg12[%get3A_164, %get3A_165] {strides = array<i32>} : memref<128x16xf32, #tpu.memory_space<vmem>>, vector<1x16xf32>,
        %get3A_167 = vector.shape_cast %get3A_166 : vector<1x16xf32> to vector<16xf32>
        %slice3A_168 = vector.extract_strided_slice %get3A_27 {offsets = [9], sizes = [1], strides = [1]} : vector<16xf32> to vector<1xf32>
        %squeeze3A_169 = vector.extract %slice3A_168[0] : f32 from vector<1xf32>
        %mul3A_170 = vector.broadcast %squeeze3A_169 : f32 to vector<16xf32>
        %mul3A_171 = arith.mulf %get3A_167, %mul3A_170 : vector<16xf32>
        %swap3A_172 = arith.index_cast %add3A_163 : i32 to index
        %swap3A_173 = arith.constant 0 : index
        %swap3A_174 = tpu.vector_load %arg12[%swap3A_172, %swap3A_173] {strides = array<i32>} : memref<128x16xf32, #tpu.memory_space<vmem>>, vector<1x16xf32>,
        %swap3A_175 = vector.shape_cast %swap3A_174 : vector<1x16xf32> to vector<16xf32>
        %swap3A_176 = vector.shape_cast %mul3A_171 : vector<16xf32> to vector<1x16xf32>
        tpu.vector_store %arg12[%swap3A_172, %swap3A_173], %swap3A_176 {strides = array<i32>} : memref<128x16xf32, #tpu.memory_space<vmem>>, vector<1x16xf32>,
        %add3A_177 = arith.constant 10 : i32
        %add3A_178 = arith.addi %mul3A_29, %add3A_177 : i32
        %get3A_179 = arith.index_cast %add3A_178 : i32 to index
        %get3A_180 = arith.constant 0 : index
        %get3A_181 = tpu.vector_load %arg12[%get3A_179, %get3A_180] {strides = array<i32>} : memref<128x16xf32, #tpu.memory_space<vmem>>, vector<1x16xf32>,
        %get3A_182 = vector.shape_cast %get3A_181 : vector<1x16xf32> to vector<16xf32>
        %slice3A_183 = vector.extract_strided_slice %get3A_27 {offsets = [10], sizes = [1], strides = [1]} : vector<16xf32> to vector<1xf32>
        %squeeze3A_184 = vector.extract %slice3A_183[0] : f32 from vector<1xf32>
        %mul3A_185 = vector.broadcast %squeeze3A_184 : f32 to vector<16xf32>
        %mul3A_186 = arith.mulf %get3A_182, %mul3A_185 : vector<16xf32>
        %swap3A_187 = arith.index_cast %add3A_178 : i32 to index
        %swap3A_188 = arith.constant 0 : index
        %swap3A_189 = tpu.vector_load %arg12[%swap3A_187, %swap3A_188] {strides = array<i32>} : memref<128x16xf32, #tpu.memory_space<vmem>>, vector<1x16xf32>,
        %swap3A_190 = vector.shape_cast %swap3A_189 : vector<1x16xf32> to vector<16xf32>
        %swap3A_191 = vector.shape_cast %mul3A_186 : vector<16xf32> to vector<1x16xf32>
        tpu.vector_store %arg12[%swap3A_187, %swap3A_188], %swap3A_191 {strides = array<i32>} : memref<128x16xf32, #tpu.memory_space<vmem>>, vector<1x16xf32>,
        %add3A_192 = arith.constant 11 : i32
        %add3A_193 = arith.addi %mul3A_29, %add3A_192 : i32
        %get3A_194 = arith.index_cast %add3A_193 : i32 to index
        %get3A_195 = arith.constant 0 : index
        %get3A_196 = tpu.vector_load %arg12[%get3A_194, %get3A_195] {strides = array<i32>} : memref<128x16xf32, #tpu.memory_space<vmem>>, vector<1x16xf32>,
        %get3A_197 = vector.shape_cast %get3A_196 : vector<1x16xf32> to vector<16xf32>
        %slice3A_198 = vector.extract_strided_slice %get3A_27 {offsets = [11], sizes = [1], strides = [1]} : vector<16xf32> to vector<1xf32>
        %squeeze3A_199 = vector.extract %slice3A_198[0] : f32 from vector<1xf32>
        %mul3A_200 = vector.broadcast %squeeze3A_199 : f32 to vector<16xf32>
        %mul3A_201 = arith.mulf %get3A_197, %mul3A_200 : vector<16xf32>
        %swap3A_202 = arith.index_cast %add3A_193 : i32 to index
        %swap3A_203 = arith.constant 0 : index
        %swap3A_204 = tpu.vector_load %arg12[%swap3A_202, %swap3A_203] {strides = array<i32>} : memref<128x16xf32, #tpu.memory_space<vmem>>, vector<1x16xf32>,
        %swap3A_205 = vector.shape_cast %swap3A_204 : vector<1x16xf32> to vector<16xf32>
        %swap3A_206 = vector.shape_cast %mul3A_201 : vector<16xf32> to vector<1x16xf32>
        tpu.vector_store %arg12[%swap3A_202, %swap3A_203], %swap3A_206 {strides = array<i32>} : memref<128x16xf32, #tpu.memory_space<vmem>>, vector<1x16xf32>,
        %add3A_207 = arith.constant 12 : i32
        %add3A_208 = arith.addi %mul3A_29, %add3A_207 : i32
        %get3A_209 = arith.index_cast %add3A_208 : i32 to index
        %get3A_210 = arith.constant 0 : index
        %get3A_211 = tpu.vector_load %arg12[%get3A_209, %get3A_210] {strides = array<i32>} : memref<128x16xf32, #tpu.memory_space<vmem>>, vector<1x16xf32>,
        %get3A_212 = vector.shape_cast %get3A_211 : vector<1x16xf32> to vector<16xf32>
        %slice3A_213 = vector.extract_strided_slice %get3A_27 {offsets = [12], sizes = [1], strides = [1]} : vector<16xf32> to vector<1xf32>
        %squeeze3A_214 = vector.extract %slice3A_213[0] : f32 from vector<1xf32>
        %mul3A_215 = vector.broadcast %squeeze3A_214 : f32 to vector<16xf32>
        %mul3A_216 = arith.mulf %get3A_212, %mul3A_215 : vector<16xf32>
        %swap3A_217 = arith.index_cast %add3A_208 : i32 to index
        %swap3A_218 = arith.constant 0 : index
        %swap3A_219 = tpu.vector_load %arg12[%swap3A_217, %swap3A_218] {strides = array<i32>} : memref<128x16xf32, #tpu.memory_space<vmem>>, vector<1x16xf32>,
        %swap3A_220 = vector.shape_cast %swap3A_219 : vector<1x16xf32> to vector<16xf32>
        %swap3A_221 = vector.shape_cast %mul3A_216 : vector<16xf32> to vector<1x16xf32>
        tpu.vector_store %arg12[%swap3A_217, %swap3A_218], %swap3A_221 {strides = array<i32>} : memref<128x16xf32, #tpu.memory_space<vmem>>, vector<1x16xf32>,
        %add3A_222 = arith.constant 13 : i32
        %add3A_223 = arith.addi %mul3A_29, %add3A_222 : i32
        %get3A_224 = arith.index_cast %add3A_223 : i32 to index
        %get3A_225 = arith.constant 0 : index
        %get3A_226 = tpu.vector_load %arg12[%get3A_224, %get3A_225] {strides = array<i32>} : memref<128x16xf32, #tpu.memory_space<vmem>>, vector<1x16xf32>,
        %get3A_227 = vector.shape_cast %get3A_226 : vector<1x16xf32> to vector<16xf32>
        %slice3A_228 = vector.extract_strided_slice %get3A_27 {offsets = [13], sizes = [1], strides = [1]} : vector<16xf32> to vector<1xf32>
        %squeeze3A_229 = vector.extract %slice3A_228[0] : f32 from vector<1xf32>
        %mul3A_230 = vector.broadcast %squeeze3A_229 : f32 to vector<16xf32>
        %mul3A_231 = arith.mulf %get3A_227, %mul3A_230 : vector<16xf32>
        %swap3A_232 = arith.index_cast %add3A_223 : i32 to index
        %swap3A_233 = arith.constant 0 : index
        %swap3A_234 = tpu.vector_load %arg12[%swap3A_232, %swap3A_233] {strides = array<i32>} : memref<128x16xf32, #tpu.memory_space<vmem>>, vector<1x16xf32>,
        %swap3A_235 = vector.shape_cast %swap3A_234 : vector<1x16xf32> to vector<16xf32>
        %swap3A_236 = vector.shape_cast %mul3A_231 : vector<16xf32> to vector<1x16xf32>
        tpu.vector_store %arg12[%swap3A_232, %swap3A_233], %swap3A_236 {strides = array<i32>} : memref<128x16xf32, #tpu.memory_space<vmem>>, vector<1x16xf32>,
        %add3A_237 = arith.constant 14 : i32
        %add3A_238 = arith.addi %mul3A_29, %add3A_237 : i32
        %get3A_239 = arith.index_cast %add3A_238 : i32 to index
        %get3A_240 = arith.constant 0 : index
        %get3A_241 = tpu.vector_load %arg12[%get3A_239, %get3A_240] {strides = array<i32>} : memref<128x16xf32, #tpu.memory_space<vmem>>, vector<1x16xf32>,
        %get3A_242 = vector.shape_cast %get3A_241 : vector<1x16xf32> to vector<16xf32>
        %slice3A_243 = vector.extract_strided_slice %get3A_27 {offsets = [14], sizes = [1], strides = [1]} : vector<16xf32> to vector<1xf32>
        %squeeze3A_244 = vector.extract %slice3A_243[0] : f32 from vector<1xf32>
        %mul3A_245 = vector.broadcast %squeeze3A_244 : f32 to vector<16xf32>
        %mul3A_246 = arith.mulf %get3A_242, %mul3A_245 : vector<16xf32>
        %swap3A_247 = arith.index_cast %add3A_238 : i32 to index
        %swap3A_248 = arith.constant 0 : index
        %swap3A_249 = tpu.vector_load %arg12[%swap3A_247, %swap3A_248] {strides = array<i32>} : memref<128x16xf32, #tpu.memory_space<vmem>>, vector<1x16xf32>,
        %swap3A_250 = vector.shape_cast %swap3A_249 : vector<1x16xf32> to vector<16xf32>
        %swap3A_251 = vector.shape_cast %mul3A_246 : vector<16xf32> to vector<1x16xf32>
        tpu.vector_store %arg12[%swap3A_247, %swap3A_248], %swap3A_251 {strides = array<i32>} : memref<128x16xf32, #tpu.memory_space<vmem>>, vector<1x16xf32>,
        %add3A_252 = arith.constant 15 : i32
        %add3A_253 = arith.addi %mul3A_29, %add3A_252 : i32
        %get3A_254 = arith.index_cast %add3A_253 : i32 to index
        %get3A_255 = arith.constant 0 : index
        %get3A_256 = tpu.vector_load %arg12[%get3A_254, %get3A_255] {strides = array<i32>} : memref<128x16xf32, #tpu.memory_space<vmem>>, vector<1x16xf32>,
        %get3A_257 = vector.shape_cast %get3A_256 : vector<1x16xf32> to vector<16xf32>
        %slice3A_258 = vector.extract_strided_slice %get3A_27 {offsets = [15], sizes = [1], strides = [1]} : vector<16xf32> to vector<1xf32>
        %squeeze3A_259 = vector.extract %slice3A_258[0] : f32 from vector<1xf32>
        %mul3A_260 = vector.broadcast %squeeze3A_259 : f32 to vector<16xf32>
        %mul3A_261 = arith.mulf %get3A_257, %mul3A_260 : vector<16xf32>
        %swap3A_262 = arith.index_cast %add3A_253 : i32 to index
        %swap3A_263 = arith.constant 0 : index
        %swap3A_264 = tpu.vector_load %arg12[%swap3A_262, %swap3A_263] {strides = array<i32>} : memref<128x16xf32, #tpu.memory_space<vmem>>, vector<1x16xf32>,
        %swap3A_265 = vector.shape_cast %swap3A_264 : vector<1x16xf32> to vector<16xf32>
        %swap3A_266 = vector.shape_cast %mul3A_261 : vector<16xf32> to vector<1x16xf32>
        tpu.vector_store %arg12[%swap3A_262, %swap3A_263], %swap3A_266 {strides = array<i32>} : memref<128x16xf32, #tpu.memory_space<vmem>>, vector<1x16xf32>,
      }
      %scan3A_21 = arith.constant 8 : i32
      "tpu.region"() ({
        %run_scoped3A = tpu.sem_alloc : memref<!tpu.dma_semaphore, #tpu.memory_space<semaphore_mem>>
        %dma_start3A = arith.constant 0 : i32
        %dma_start3A_22 = tpu.memref_slice %arg10[%scan3A_15, %dma_start3A] : memref<80x128xi32, #tpu.memory_space<vmem>> -> memref<1x128xi32, #tpu.memory_space<vmem>>
        %dma_start3A_23 = tpu.memref_squeeze %dma_start3A_22 : memref<1x128xi32, #tpu.memory_space<vmem>> -> memref<128xi32, #tpu.memory_space<vmem>>
        %dma_start3A_24 = arith.constant 0 : i32
        %dma_start3A_25 = arith.constant 0 : i32
        %dma_start3A_26 = tpu.memref_slice %arg8[%dma_start3A_24, %dma_start3A_25] : memref<10112x16xf32, #tpu.memory_space<vmem_shared>> -> memref<10112x16xf32, #tpu.memory_space<vmem_shared>>
        tpu.enqueue_indirect_dma source(%arg12 : memref<128x16xf32, #tpu.memory_space<vmem>>) target(%dma_start3A_26 : memref<10112x16xf32, #tpu.memory_space<vmem_shared>>) offsets(%dma_start3A_23 : memref<128xi32, #tpu.memory_space<vmem>>) semaphore(%run_scoped3A : memref<!tpu.dma_semaphore, #tpu.memory_space<semaphore_mem>>) {add = true}
        %dma_wait3A = arith.constant 0 : i32
        %dma_wait3A_27 = tpu.memref_slice %arg10[%scan3A_15, %dma_wait3A] : memref<80x128xi32, #tpu.memory_space<vmem>> -> memref<1x128xi32, #tpu.memory_space<vmem>>
        %dma_wait3A_28 = tpu.memref_squeeze %dma_wait3A_27 : memref<1x128xi32, #tpu.memory_space<vmem>> -> memref<128xi32, #tpu.memory_space<vmem>>
        %dma_wait3A_29 = arith.constant 0 : i32
        %dma_wait3A_30 = arith.constant 0 : i32
        %dma_wait3A_31 = tpu.memref_slice %arg8[%dma_wait3A_29, %dma_wait3A_30] : memref<10112x16xf32, #tpu.memory_space<vmem_shared>> -> memref<10112x16xf32, #tpu.memory_space<vmem_shared>>
        tpu.wait_indirect_dma semaphore(%run_scoped3A : memref<!tpu.dma_semaphore, #tpu.memory_space<semaphore_mem>>) src(%arg12 : memref<128x16xf32, #tpu.memory_space<vmem>>) dst(%dma_wait3A_31 : memref<10112x16xf32, #tpu.memory_space<vmem_shared>>)
        tpu.yield
      }) : () -> ()
    }
    %scan3A_9 = arith.constant 80 : i32
    %barrier3A_10 = arith.constant 0 : index
    tpu.barrier barrier_id(%barrier3A_10)
    %mul3A_11 = arith.constant 632 : i32
    %mul3A_12 = arith.muli %arg1, %mul3A_11 : i32
    %mul3A_13 = arith.constant 632 : i32
    %mul3A_14 = arith.muli %arg1, %mul3A_13 : i32
    "tpu.region"() ({
      %run_scoped3A = tpu.sem_alloc : memref<!tpu.dma_semaphore, #tpu.memory_space<semaphore_mem>>
      %dma_start3A = arith.constant 0 : i32
      %dma_start3A_15 = tpu.memref_slice %arg7[%arg0, %mul3A_14, %dma_start3A] : memref<2x10112x16xf32, #tpu.memory_space<hbm>> -> memref<1x632x16xf32, #tpu.memory_space<hbm>>
      %dma_start3A_16 = tpu.memref_squeeze %dma_start3A_15 : memref<1x632x16xf32, #tpu.memory_space<hbm>> -> memref<632x16xf32, #tpu.memory_space<hbm>>
      %dma_start3A_17 = arith.constant 0 : i32
      %dma_start3A_18 = tpu.memref_slice %arg8[%mul3A_12, %dma_start3A_17] : memref<10112x16xf32, #tpu.memory_space<vmem_shared>> -> memref<632x16xf32, #tpu.memory_space<vmem_shared>>
      tpu.enqueue_dma source(%dma_start3A_18 : memref<632x16xf32, #tpu.memory_space<vmem_shared>>) target(%dma_start3A_16 : memref<632x16xf32, #tpu.memory_space<hbm>>) target_semaphore(%run_scoped3A : memref<!tpu.dma_semaphore, #tpu.memory_space<semaphore_mem>>)
      %dma_wait3A = arith.constant 0 : i32
      %dma_wait3A_19 = tpu.memref_slice %arg7[%arg0, %mul3A_14, %dma_wait3A] : memref<2x10112x16xf32, #tpu.memory_space<hbm>> -> memref<1x632x16xf32, #tpu.memory_space<hbm>>
      %dma_wait3A_20 = tpu.memref_squeeze %dma_wait3A_19 : memref<1x632x16xf32, #tpu.memory_space<hbm>> -> memref<632x16xf32, #tpu.memory_space<hbm>>
      %dma_wait3A_21 = arith.constant 0 : i32
      %dma_wait3A_22 = tpu.memref_slice %arg8[%mul3A_12, %dma_wait3A_21] : memref<10112x16xf32, #tpu.memory_space<vmem_shared>> -> memref<632x16xf32, #tpu.memory_space<vmem_shared>>
      tpu.wait_dma2 semaphore(%run_scoped3A : memref<!tpu.dma_semaphore, #tpu.memory_space<semaphore_mem>>) src(%dma_wait3A_22 : memref<632x16xf32, #tpu.memory_space<vmem_shared>>) dst(%dma_wait3A_20 : memref<632x16xf32, #tpu.memory_space<hbm>>)
      tpu.yield
    }) : () -> ()
    return
  }
}

#map = affine_map<(d0, d1) -> (0, 0)>
#map1 = affine_map<(d0, d1) -> (0, 0, 0)>
module attributes {stable_mosaic.version = 14 : i64} {
  func.func @edge_agg(%arg0: i32, %arg1: i32, %arg2: memref<10000x16xf32, #tpu.memory_space<hbm>>, %arg3: memref<32x80x128xi32, #tpu.memory_space<hbm>>, %arg4: memref<32x80x128xi32, #tpu.memory_space<hbm>>, %arg5: memref<32x80x128xf32, #tpu.memory_space<hbm>>, %arg6: memref<10112x16xf32, #tpu.memory_space<hbm>>, %arg7: memref<2x10112x16xf32, #tpu.memory_space<hbm>>, %arg8: memref<10112x16xf32, #tpu.memory_space<vmem_shared>>, %arg9: memref<80x128xi32, #tpu.memory_space<vmem>>, %arg10: memref<80x128xi32, #tpu.memory_space<vmem>>, %arg11: memref<80x128xf32, #tpu.memory_space<vmem>>, %arg12: memref<128x16xf32, #tpu.memory_space<vmem>>) attributes {dimension_semantics = [#tpu.dimension_semantics<core_parallel>, #tpu.dimension_semantics<subcore_parallel>], iteration_bounds = array<i64: 2, 16>, scalar_prefetch = 0 : i64, scratch_operands = 5 : i64, tpu.core_type = #tpu.core_type<sc_vector_subcore>, window_params = [{transform_indices = #map}, {transform_indices = #map1}, {transform_indices = #map1}, {transform_indices = #map1}, {transform_indices = #map}, {transform_indices = #map1}]} {
    %mul3A = arith.constant 16 : i32
    %mul3A_0 = arith.muli %arg0, %mul3A : i32
    %add3A = arith.addi %mul3A_0, %arg1 : i32
    %mul3A_1 = arith.constant 632 : i32
    %mul3A_2 = arith.muli %arg1, %mul3A_1 : i32
    %mul3A_3 = arith.constant 632 : i32
    %mul3A_4 = arith.muli %arg1, %mul3A_3 : i32
    "tpu.region"() ({
      %run_scoped3A = tpu.sem_alloc : memref<!tpu.dma_semaphore, #tpu.memory_space<semaphore_mem>>
      %dma_start3A = arith.constant 0 : i32
      %dma_start3A_15 = tpu.memref_slice %arg8[%mul3A_4, %dma_start3A] : memref<10112x16xf32, #tpu.memory_space<vmem_shared>> -> memref<632x16xf32, #tpu.memory_space<vmem_shared>>
      %dma_start3A_16 = arith.constant 0 : i32
      %dma_start3A_17 = tpu.memref_slice %arg6[%mul3A_2, %dma_start3A_16] : memref<10112x16xf32, #tpu.memory_space<hbm>> -> memref<632x16xf32, #tpu.memory_space<hbm>>
      tpu.enqueue_dma source(%dma_start3A_17 : memref<632x16xf32, #tpu.memory_space<hbm>>) target(%dma_start3A_15 : memref<632x16xf32, #tpu.memory_space<vmem_shared>>) target_semaphore(%run_scoped3A : memref<!tpu.dma_semaphore, #tpu.memory_space<semaphore_mem>>)
      %dma_wait3A = arith.constant 0 : i32
      %dma_wait3A_18 = tpu.memref_slice %arg8[%mul3A_4, %dma_wait3A] : memref<10112x16xf32, #tpu.memory_space<vmem_shared>> -> memref<632x16xf32, #tpu.memory_space<vmem_shared>>
      %dma_wait3A_19 = arith.constant 0 : i32
      %dma_wait3A_20 = tpu.memref_slice %arg6[%mul3A_2, %dma_wait3A_19] : memref<10112x16xf32, #tpu.memory_space<hbm>> -> memref<632x16xf32, #tpu.memory_space<hbm>>
      tpu.wait_dma2 semaphore(%run_scoped3A : memref<!tpu.dma_semaphore, #tpu.memory_space<semaphore_mem>>) src(%dma_wait3A_20 : memref<632x16xf32, #tpu.memory_space<hbm>>) dst(%dma_wait3A_18 : memref<632x16xf32, #tpu.memory_space<vmem_shared>>)
      tpu.yield
    }) : () -> ()
    "tpu.region"() ({
      %run_scoped3A = tpu.sem_alloc : memref<!tpu.dma_semaphore, #tpu.memory_space<semaphore_mem>>
      %dma_start3A = arith.constant 0 : i32
      %dma_start3A_15 = arith.constant 0 : i32
      %dma_start3A_16 = tpu.memref_slice %arg3[%add3A, %dma_start3A, %dma_start3A_15] : memref<32x80x128xi32, #tpu.memory_space<hbm>> -> memref<1x80x128xi32, #tpu.memory_space<hbm>>
      %dma_start3A_17 = tpu.memref_squeeze %dma_start3A_16 : memref<1x80x128xi32, #tpu.memory_space<hbm>> -> memref<80x128xi32, #tpu.memory_space<hbm>>
      %dma_start3A_18 = arith.constant 0 : i32
      %dma_start3A_19 = arith.constant 0 : i32
      %dma_start3A_20 = tpu.memref_slice %arg3[%add3A, %dma_start3A_18, %dma_start3A_19] : memref<32x80x128xi32, #tpu.memory_space<hbm>> -> memref<1x80x128xi32, #tpu.memory_space<hbm>>
      %dma_start3A_21 = tpu.memref_squeeze %dma_start3A_20 : memref<1x80x128xi32, #tpu.memory_space<hbm>> -> memref<80x128xi32, #tpu.memory_space<hbm>>
      tpu.enqueue_dma source(%dma_start3A_21 : memref<80x128xi32, #tpu.memory_space<hbm>>) target(%arg9 : memref<80x128xi32, #tpu.memory_space<vmem>>) target_semaphore(%run_scoped3A : memref<!tpu.dma_semaphore, #tpu.memory_space<semaphore_mem>>)
      %dma_wait3A = arith.constant 0 : i32
      %dma_wait3A_22 = arith.constant 0 : i32
      %dma_wait3A_23 = tpu.memref_slice %arg3[%add3A, %dma_wait3A, %dma_wait3A_22] : memref<32x80x128xi32, #tpu.memory_space<hbm>> -> memref<1x80x128xi32, #tpu.memory_space<hbm>>
      %dma_wait3A_24 = tpu.memref_squeeze %dma_wait3A_23 : memref<1x80x128xi32, #tpu.memory_space<hbm>> -> memref<80x128xi32, #tpu.memory_space<hbm>>
      %dma_wait3A_25 = arith.constant 0 : i32
      %dma_wait3A_26 = arith.constant 0 : i32
      %dma_wait3A_27 = tpu.memref_slice %arg3[%add3A, %dma_wait3A_25, %dma_wait3A_26] : memref<32x80x128xi32, #tpu.memory_space<hbm>> -> memref<1x80x128xi32, #tpu.memory_space<hbm>>
      %dma_wait3A_28 = tpu.memref_squeeze %dma_wait3A_27 : memref<1x80x128xi32, #tpu.memory_space<hbm>> -> memref<80x128xi32, #tpu.memory_space<hbm>>
      tpu.wait_dma2 semaphore(%run_scoped3A : memref<!tpu.dma_semaphore, #tpu.memory_space<semaphore_mem>>) src(%dma_wait3A_28 : memref<80x128xi32, #tpu.memory_space<hbm>>) dst(%arg9 : memref<80x128xi32, #tpu.memory_space<vmem>>)
      tpu.yield
    }) : () -> ()
    "tpu.region"() ({
      %run_scoped3A = tpu.sem_alloc : memref<!tpu.dma_semaphore, #tpu.memory_space<semaphore_mem>>
      %dma_start3A = arith.constant 0 : i32
      %dma_start3A_15 = arith.constant 0 : i32
      %dma_start3A_16 = tpu.memref_slice %arg4[%add3A, %dma_start3A, %dma_start3A_15] : memref<32x80x128xi32, #tpu.memory_space<hbm>> -> memref<1x80x128xi32, #tpu.memory_space<hbm>>
      %dma_start3A_17 = tpu.memref_squeeze %dma_start3A_16 : memref<1x80x128xi32, #tpu.memory_space<hbm>> -> memref<80x128xi32, #tpu.memory_space<hbm>>
      %dma_start3A_18 = arith.constant 0 : i32
      %dma_start3A_19 = arith.constant 0 : i32
      %dma_start3A_20 = tpu.memref_slice %arg4[%add3A, %dma_start3A_18, %dma_start3A_19] : memref<32x80x128xi32, #tpu.memory_space<hbm>> -> memref<1x80x128xi32, #tpu.memory_space<hbm>>
      %dma_start3A_21 = tpu.memref_squeeze %dma_start3A_20 : memref<1x80x128xi32, #tpu.memory_space<hbm>> -> memref<80x128xi32, #tpu.memory_space<hbm>>
      tpu.enqueue_dma source(%dma_start3A_21 : memref<80x128xi32, #tpu.memory_space<hbm>>) target(%arg10 : memref<80x128xi32, #tpu.memory_space<vmem>>) target_semaphore(%run_scoped3A : memref<!tpu.dma_semaphore, #tpu.memory_space<semaphore_mem>>)
      %dma_wait3A = arith.constant 0 : i32
      %dma_wait3A_22 = arith.constant 0 : i32
      %dma_wait3A_23 = tpu.memref_slice %arg4[%add3A, %dma_wait3A, %dma_wait3A_22] : memref<32x80x128xi32, #tpu.memory_space<hbm>> -> memref<1x80x128xi32, #tpu.memory_space<hbm>>
      %dma_wait3A_24 = tpu.memref_squeeze %dma_wait3A_23 : memref<1x80x128xi32, #tpu.memory_space<hbm>> -> memref<80x128xi32, #tpu.memory_space<hbm>>
      %dma_wait3A_25 = arith.constant 0 : i32
      %dma_wait3A_26 = arith.constant 0 : i32
      %dma_wait3A_27 = tpu.memref_slice %arg4[%add3A, %dma_wait3A_25, %dma_wait3A_26] : memref<32x80x128xi32, #tpu.memory_space<hbm>> -> memref<1x80x128xi32, #tpu.memory_space<hbm>>
      %dma_wait3A_28 = tpu.memref_squeeze %dma_wait3A_27 : memref<1x80x128xi32, #tpu.memory_space<hbm>> -> memref<80x128xi32, #tpu.memory_space<hbm>>
      tpu.wait_dma2 semaphore(%run_scoped3A : memref<!tpu.dma_semaphore, #tpu.memory_space<semaphore_mem>>) src(%dma_wait3A_28 : memref<80x128xi32, #tpu.memory_space<hbm>>) dst(%arg10 : memref<80x128xi32, #tpu.memory_space<vmem>>)
      tpu.yield
    }) : () -> ()
    "tpu.region"() ({
      %run_scoped3A = tpu.sem_alloc : memref<!tpu.dma_semaphore, #tpu.memory_space<semaphore_mem>>
      %dma_start3A = arith.constant 0 : i32
      %dma_start3A_15 = arith.constant 0 : i32
      %dma_start3A_16 = tpu.memref_slice %arg5[%add3A, %dma_start3A, %dma_start3A_15] : memref<32x80x128xf32, #tpu.memory_space<hbm>> -> memref<1x80x128xf32, #tpu.memory_space<hbm>>
      %dma_start3A_17 = tpu.memref_squeeze %dma_start3A_16 : memref<1x80x128xf32, #tpu.memory_space<hbm>> -> memref<80x128xf32, #tpu.memory_space<hbm>>
      %dma_start3A_18 = arith.constant 0 : i32
      %dma_start3A_19 = arith.constant 0 : i32
      %dma_start3A_20 = tpu.memref_slice %arg5[%add3A, %dma_start3A_18, %dma_start3A_19] : memref<32x80x128xf32, #tpu.memory_space<hbm>> -> memref<1x80x128xf32, #tpu.memory_space<hbm>>
      %dma_start3A_21 = tpu.memref_squeeze %dma_start3A_20 : memref<1x80x128xf32, #tpu.memory_space<hbm>> -> memref<80x128xf32, #tpu.memory_space<hbm>>
      tpu.enqueue_dma source(%dma_start3A_21 : memref<80x128xf32, #tpu.memory_space<hbm>>) target(%arg11 : memref<80x128xf32, #tpu.memory_space<vmem>>) target_semaphore(%run_scoped3A : memref<!tpu.dma_semaphore, #tpu.memory_space<semaphore_mem>>)
      %dma_wait3A = arith.constant 0 : i32
      %dma_wait3A_22 = arith.constant 0 : i32
      %dma_wait3A_23 = tpu.memref_slice %arg5[%add3A, %dma_wait3A, %dma_wait3A_22] : memref<32x80x128xf32, #tpu.memory_space<hbm>> -> memref<1x80x128xf32, #tpu.memory_space<hbm>>
      %dma_wait3A_24 = tpu.memref_squeeze %dma_wait3A_23 : memref<1x80x128xf32, #tpu.memory_space<hbm>> -> memref<80x128xf32, #tpu.memory_space<hbm>>
      %dma_wait3A_25 = arith.constant 0 : i32
      %dma_wait3A_26 = arith.constant 0 : i32
      %dma_wait3A_27 = tpu.memref_slice %arg5[%add3A, %dma_wait3A_25, %dma_wait3A_26] : memref<32x80x128xf32, #tpu.memory_space<hbm>> -> memref<1x80x128xf32, #tpu.memory_space<hbm>>
      %dma_wait3A_28 = tpu.memref_squeeze %dma_wait3A_27 : memref<1x80x128xf32, #tpu.memory_space<hbm>> -> memref<80x128xf32, #tpu.memory_space<hbm>>
      tpu.wait_dma2 semaphore(%run_scoped3A : memref<!tpu.dma_semaphore, #tpu.memory_space<semaphore_mem>>) src(%dma_wait3A_28 : memref<80x128xf32, #tpu.memory_space<hbm>>) dst(%arg11 : memref<80x128xf32, #tpu.memory_space<vmem>>)
      tpu.yield
    }) : () -> ()
    %barrier3A = arith.constant 0 : index
    tpu.barrier barrier_id(%barrier3A)
    %scan3A = arith.constant 0 : i32
    %scan3A_5 = arith.constant 0 : i32
    %scan3A_6 = arith.constant 80 : i32
    %scan3A_7 = arith.addi %scan3A_5, %scan3A_6 : i32
    %scan3A_8 = arith.constant 1 : i32
    scf.for %scan3A_15 = %scan3A_5 to %scan3A_7 step %scan3A_8  : i32 {
      "tpu.region"() ({
        %run_scoped3A = tpu.sem_alloc : memref<!tpu.dma_semaphore, #tpu.memory_space<semaphore_mem>>
        %dma_start3A = arith.constant 0 : i32
        %dma_start3A_22 = tpu.memref_slice %arg9[%scan3A_15, %dma_start3A] : memref<80x128xi32, #tpu.memory_space<vmem>> -> memref<1x128xi32, #tpu.memory_space<vmem>>
        %dma_start3A_23 = tpu.memref_squeeze %dma_start3A_22 : memref<1x128xi32, #tpu.memory_space<vmem>> -> memref<128xi32, #tpu.memory_space<vmem>>
        %dma_start3A_24 = arith.constant 0 : i32
        %dma_start3A_25 = arith.constant 0 : i32
        %dma_start3A_26 = tpu.memref_slice %arg2[%dma_start3A_24, %dma_start3A_25] : memref<10000x16xf32, #tpu.memory_space<hbm>> -> memref<10000x16xf32, #tpu.memory_space<hbm>>
        tpu.enqueue_indirect_dma source(%dma_start3A_26 : memref<10000x16xf32, #tpu.memory_space<hbm>>) target(%arg12 : memref<128x16xf32, #tpu.memory_space<vmem>>) offsets(%dma_start3A_23 : memref<128xi32, #tpu.memory_space<vmem>>) semaphore(%run_scoped3A : memref<!tpu.dma_semaphore, #tpu.memory_space<semaphore_mem>>)
        %dma_wait3A = arith.constant 0 : i32
        %dma_wait3A_27 = tpu.memref_slice %arg9[%scan3A_15, %dma_wait3A] : memref<80x128xi32, #tpu.memory_space<vmem>> -> memref<1x128xi32, #tpu.memory_space<vmem>>
        %dma_wait3A_28 = tpu.memref_squeeze %dma_wait3A_27 : memref<1x128xi32, #tpu.memory_space<vmem>> -> memref<128xi32, #tpu.memory_space<vmem>>
        %dma_wait3A_29 = arith.constant 0 : i32
        %dma_wait3A_30 = arith.constant 0 : i32
        %dma_wait3A_31 = tpu.memref_slice %arg2[%dma_wait3A_29, %dma_wait3A_30] : memref<10000x16xf32, #tpu.memory_space<hbm>> -> memref<10000x16xf32, #tpu.memory_space<hbm>>
        tpu.wait_indirect_dma semaphore(%run_scoped3A : memref<!tpu.dma_semaphore, #tpu.memory_space<semaphore_mem>>) src(%dma_wait3A_31 : memref<10000x16xf32, #tpu.memory_space<hbm>>) dst(%arg12 : memref<128x16xf32, #tpu.memory_space<vmem>>)
        tpu.yield
      }) : () -> ()
      %scan3A_16 = arith.constant 0 : i32
      %scan3A_17 = arith.constant 0 : i32
      %scan3A_18 = arith.constant 8 : i32
      %scan3A_19 = arith.addi %scan3A_17, %scan3A_18 : i32
      %scan3A_20 = arith.constant 1 : i32
      scf.for %scan3A_22 = %scan3A_17 to %scan3A_19 step %scan3A_20  : i32 {
        %mul3A_23 = arith.constant 16 : i32
        %mul3A_24 = arith.muli %scan3A_22, %mul3A_23 : i32
        %get3A = arith.index_cast %scan3A_15 : i32 to index
        %get3A_25 = arith.index_cast %mul3A_24 : i32 to index
        %get3A_26 = tpu.vector_load %arg11[%get3A, %get3A_25] {strides = array<i32>} : memref<80x128xf32, #tpu.memory_space<vmem>>, vector<1x16xf32>,
        %get3A_27 = vector.shape_cast %get3A_26 : vector<1x16xf32> to vector<16xf32>
        %mul3A_28 = arith.constant 16 : i32
        %mul3A_29 = arith.muli %scan3A_22, %mul3A_28 : i32
        %add3A_30 = arith.constant 0 : i32
        %add3A_31 = arith.addi %mul3A_29, %add3A_30 : i32
        %get3A_32 = arith.index_cast %add3A_31 : i32 to index
        %get3A_33 = arith.constant 0 : index
        %get3A_34 = tpu.vector_load %arg12[%get3A_32, %get3A_33] {strides = array<i32>} : memref<128x16xf32, #tpu.memory_space<vmem>>, vector<1x16xf32>,
        %get3A_35 = vector.shape_cast %get3A_34 : vector<1x16xf32> to vector<16xf32>
        %slice3A = vector.extract_strided_slice %get3A_27 {offsets = [0], sizes = [1], strides = [1]} : vector<16xf32> to vector<1xf32>
        %squeeze3A = vector.extract %slice3A[0] : f32 from vector<1xf32>
        %mul3A_36 = vector.broadcast %squeeze3A : f32 to vector<16xf32>
        %mul3A_37 = arith.mulf %get3A_35, %mul3A_36 : vector<16xf32>
        %swap3A = arith.index_cast %add3A_31 : i32 to index
        %swap3A_38 = arith.constant 0 : index
        %swap3A_39 = tpu.vector_load %arg12[%swap3A, %swap3A_38] {strides = array<i32>} : memref<128x16xf32, #tpu.memory_space<vmem>>, vector<1x16xf32>,
        %swap3A_40 = vector.shape_cast %swap3A_39 : vector<1x16xf32> to vector<16xf32>
        %swap3A_41 = vector.shape_cast %mul3A_37 : vector<16xf32> to vector<1x16xf32>
        tpu.vector_store %arg12[%swap3A, %swap3A_38], %swap3A_41 {strides = array<i32>} : memref<128x16xf32, #tpu.memory_space<vmem>>, vector<1x16xf32>,
        %add3A_42 = arith.constant 1 : i32
        %add3A_43 = arith.addi %mul3A_29, %add3A_42 : i32
        %get3A_44 = arith.index_cast %add3A_43 : i32 to index
        %get3A_45 = arith.constant 0 : index
        %get3A_46 = tpu.vector_load %arg12[%get3A_44, %get3A_45] {strides = array<i32>} : memref<128x16xf32, #tpu.memory_space<vmem>>, vector<1x16xf32>,
        %get3A_47 = vector.shape_cast %get3A_46 : vector<1x16xf32> to vector<16xf32>
        %slice3A_48 = vector.extract_strided_slice %get3A_27 {offsets = [1], sizes = [1], strides = [1]} : vector<16xf32> to vector<1xf32>
        %squeeze3A_49 = vector.extract %slice3A_48[0] : f32 from vector<1xf32>
        %mul3A_50 = vector.broadcast %squeeze3A_49 : f32 to vector<16xf32>
        %mul3A_51 = arith.mulf %get3A_47, %mul3A_50 : vector<16xf32>
        %swap3A_52 = arith.index_cast %add3A_43 : i32 to index
        %swap3A_53 = arith.constant 0 : index
        %swap3A_54 = tpu.vector_load %arg12[%swap3A_52, %swap3A_53] {strides = array<i32>} : memref<128x16xf32, #tpu.memory_space<vmem>>, vector<1x16xf32>,
        %swap3A_55 = vector.shape_cast %swap3A_54 : vector<1x16xf32> to vector<16xf32>
        %swap3A_56 = vector.shape_cast %mul3A_51 : vector<16xf32> to vector<1x16xf32>
        tpu.vector_store %arg12[%swap3A_52, %swap3A_53], %swap3A_56 {strides = array<i32>} : memref<128x16xf32, #tpu.memory_space<vmem>>, vector<1x16xf32>,
        %add3A_57 = arith.constant 2 : i32
        %add3A_58 = arith.addi %mul3A_29, %add3A_57 : i32
        %get3A_59 = arith.index_cast %add3A_58 : i32 to index
        %get3A_60 = arith.constant 0 : index
        %get3A_61 = tpu.vector_load %arg12[%get3A_59, %get3A_60] {strides = array<i32>} : memref<128x16xf32, #tpu.memory_space<vmem>>, vector<1x16xf32>,
        %get3A_62 = vector.shape_cast %get3A_61 : vector<1x16xf32> to vector<16xf32>
        %slice3A_63 = vector.extract_strided_slice %get3A_27 {offsets = [2], sizes = [1], strides = [1]} : vector<16xf32> to vector<1xf32>
        %squeeze3A_64 = vector.extract %slice3A_63[0] : f32 from vector<1xf32>
        %mul3A_65 = vector.broadcast %squeeze3A_64 : f32 to vector<16xf32>
        %mul3A_66 = arith.mulf %get3A_62, %mul3A_65 : vector<16xf32>
        %swap3A_67 = arith.index_cast %add3A_58 : i32 to index
        %swap3A_68 = arith.constant 0 : index
        %swap3A_69 = tpu.vector_load %arg12[%swap3A_67, %swap3A_68] {strides = array<i32>} : memref<128x16xf32, #tpu.memory_space<vmem>>, vector<1x16xf32>,
        %swap3A_70 = vector.shape_cast %swap3A_69 : vector<1x16xf32> to vector<16xf32>
        %swap3A_71 = vector.shape_cast %mul3A_66 : vector<16xf32> to vector<1x16xf32>
        tpu.vector_store %arg12[%swap3A_67, %swap3A_68], %swap3A_71 {strides = array<i32>} : memref<128x16xf32, #tpu.memory_space<vmem>>, vector<1x16xf32>,
        %add3A_72 = arith.constant 3 : i32
        %add3A_73 = arith.addi %mul3A_29, %add3A_72 : i32
        %get3A_74 = arith.index_cast %add3A_73 : i32 to index
        %get3A_75 = arith.constant 0 : index
        %get3A_76 = tpu.vector_load %arg12[%get3A_74, %get3A_75] {strides = array<i32>} : memref<128x16xf32, #tpu.memory_space<vmem>>, vector<1x16xf32>,
        %get3A_77 = vector.shape_cast %get3A_76 : vector<1x16xf32> to vector<16xf32>
        %slice3A_78 = vector.extract_strided_slice %get3A_27 {offsets = [3], sizes = [1], strides = [1]} : vector<16xf32> to vector<1xf32>
        %squeeze3A_79 = vector.extract %slice3A_78[0] : f32 from vector<1xf32>
        %mul3A_80 = vector.broadcast %squeeze3A_79 : f32 to vector<16xf32>
        %mul3A_81 = arith.mulf %get3A_77, %mul3A_80 : vector<16xf32>
        %swap3A_82 = arith.index_cast %add3A_73 : i32 to index
        %swap3A_83 = arith.constant 0 : index
        %swap3A_84 = tpu.vector_load %arg12[%swap3A_82, %swap3A_83] {strides = array<i32>} : memref<128x16xf32, #tpu.memory_space<vmem>>, vector<1x16xf32>,
        %swap3A_85 = vector.shape_cast %swap3A_84 : vector<1x16xf32> to vector<16xf32>
        %swap3A_86 = vector.shape_cast %mul3A_81 : vector<16xf32> to vector<1x16xf32>
        tpu.vector_store %arg12[%swap3A_82, %swap3A_83], %swap3A_86 {strides = array<i32>} : memref<128x16xf32, #tpu.memory_space<vmem>>, vector<1x16xf32>,
        %add3A_87 = arith.constant 4 : i32
        %add3A_88 = arith.addi %mul3A_29, %add3A_87 : i32
        %get3A_89 = arith.index_cast %add3A_88 : i32 to index
        %get3A_90 = arith.constant 0 : index
        %get3A_91 = tpu.vector_load %arg12[%get3A_89, %get3A_90] {strides = array<i32>} : memref<128x16xf32, #tpu.memory_space<vmem>>, vector<1x16xf32>,
        %get3A_92 = vector.shape_cast %get3A_91 : vector<1x16xf32> to vector<16xf32>
        %slice3A_93 = vector.extract_strided_slice %get3A_27 {offsets = [4], sizes = [1], strides = [1]} : vector<16xf32> to vector<1xf32>
        %squeeze3A_94 = vector.extract %slice3A_93[0] : f32 from vector<1xf32>
        %mul3A_95 = vector.broadcast %squeeze3A_94 : f32 to vector<16xf32>
        %mul3A_96 = arith.mulf %get3A_92, %mul3A_95 : vector<16xf32>
        %swap3A_97 = arith.index_cast %add3A_88 : i32 to index
        %swap3A_98 = arith.constant 0 : index
        %swap3A_99 = tpu.vector_load %arg12[%swap3A_97, %swap3A_98] {strides = array<i32>} : memref<128x16xf32, #tpu.memory_space<vmem>>, vector<1x16xf32>,
        %swap3A_100 = vector.shape_cast %swap3A_99 : vector<1x16xf32> to vector<16xf32>
        %swap3A_101 = vector.shape_cast %mul3A_96 : vector<16xf32> to vector<1x16xf32>
        tpu.vector_store %arg12[%swap3A_97, %swap3A_98], %swap3A_101 {strides = array<i32>} : memref<128x16xf32, #tpu.memory_space<vmem>>, vector<1x16xf32>,
        %add3A_102 = arith.constant 5 : i32
        %add3A_103 = arith.addi %mul3A_29, %add3A_102 : i32
        %get3A_104 = arith.index_cast %add3A_103 : i32 to index
        %get3A_105 = arith.constant 0 : index
        %get3A_106 = tpu.vector_load %arg12[%get3A_104, %get3A_105] {strides = array<i32>} : memref<128x16xf32, #tpu.memory_space<vmem>>, vector<1x16xf32>,
        %get3A_107 = vector.shape_cast %get3A_106 : vector<1x16xf32> to vector<16xf32>
        %slice3A_108 = vector.extract_strided_slice %get3A_27 {offsets = [5], sizes = [1], strides = [1]} : vector<16xf32> to vector<1xf32>
        %squeeze3A_109 = vector.extract %slice3A_108[0] : f32 from vector<1xf32>
        %mul3A_110 = vector.broadcast %squeeze3A_109 : f32 to vector<16xf32>
        %mul3A_111 = arith.mulf %get3A_107, %mul3A_110 : vector<16xf32>
        %swap3A_112 = arith.index_cast %add3A_103 : i32 to index
        %swap3A_113 = arith.constant 0 : index
        %swap3A_114 = tpu.vector_load %arg12[%swap3A_112, %swap3A_113] {strides = array<i32>} : memref<128x16xf32, #tpu.memory_space<vmem>>, vector<1x16xf32>,
        %swap3A_115 = vector.shape_cast %swap3A_114 : vector<1x16xf32> to vector<16xf32>
        %swap3A_116 = vector.shape_cast %mul3A_111 : vector<16xf32> to vector<1x16xf32>
        tpu.vector_store %arg12[%swap3A_112, %swap3A_113], %swap3A_116 {strides = array<i32>} : memref<128x16xf32, #tpu.memory_space<vmem>>, vector<1x16xf32>,
        %add3A_117 = arith.constant 6 : i32
        %add3A_118 = arith.addi %mul3A_29, %add3A_117 : i32
        %get3A_119 = arith.index_cast %add3A_118 : i32 to index
        %get3A_120 = arith.constant 0 : index
        %get3A_121 = tpu.vector_load %arg12[%get3A_119, %get3A_120] {strides = array<i32>} : memref<128x16xf32, #tpu.memory_space<vmem>>, vector<1x16xf32>,
        %get3A_122 = vector.shape_cast %get3A_121 : vector<1x16xf32> to vector<16xf32>
        %slice3A_123 = vector.extract_strided_slice %get3A_27 {offsets = [6], sizes = [1], strides = [1]} : vector<16xf32> to vector<1xf32>
        %squeeze3A_124 = vector.extract %slice3A_123[0] : f32 from vector<1xf32>
        %mul3A_125 = vector.broadcast %squeeze3A_124 : f32 to vector<16xf32>
        %mul3A_126 = arith.mulf %get3A_122, %mul3A_125 : vector<16xf32>
        %swap3A_127 = arith.index_cast %add3A_118 : i32 to index
        %swap3A_128 = arith.constant 0 : index
        %swap3A_129 = tpu.vector_load %arg12[%swap3A_127, %swap3A_128] {strides = array<i32>} : memref<128x16xf32, #tpu.memory_space<vmem>>, vector<1x16xf32>,
        %swap3A_130 = vector.shape_cast %swap3A_129 : vector<1x16xf32> to vector<16xf32>
        %swap3A_131 = vector.shape_cast %mul3A_126 : vector<16xf32> to vector<1x16xf32>
        tpu.vector_store %arg12[%swap3A_127, %swap3A_128], %swap3A_131 {strides = array<i32>} : memref<128x16xf32, #tpu.memory_space<vmem>>, vector<1x16xf32>,
        %add3A_132 = arith.constant 7 : i32
        %add3A_133 = arith.addi %mul3A_29, %add3A_132 : i32
        %get3A_134 = arith.index_cast %add3A_133 : i32 to index
        %get3A_135 = arith.constant 0 : index
        %get3A_136 = tpu.vector_load %arg12[%get3A_134, %get3A_135] {strides = array<i32>} : memref<128x16xf32, #tpu.memory_space<vmem>>, vector<1x16xf32>,
        %get3A_137 = vector.shape_cast %get3A_136 : vector<1x16xf32> to vector<16xf32>
        %slice3A_138 = vector.extract_strided_slice %get3A_27 {offsets = [7], sizes = [1], strides = [1]} : vector<16xf32> to vector<1xf32>
        %squeeze3A_139 = vector.extract %slice3A_138[0] : f32 from vector<1xf32>
        %mul3A_140 = vector.broadcast %squeeze3A_139 : f32 to vector<16xf32>
        %mul3A_141 = arith.mulf %get3A_137, %mul3A_140 : vector<16xf32>
        %swap3A_142 = arith.index_cast %add3A_133 : i32 to index
        %swap3A_143 = arith.constant 0 : index
        %swap3A_144 = tpu.vector_load %arg12[%swap3A_142, %swap3A_143] {strides = array<i32>} : memref<128x16xf32, #tpu.memory_space<vmem>>, vector<1x16xf32>,
        %swap3A_145 = vector.shape_cast %swap3A_144 : vector<1x16xf32> to vector<16xf32>
        %swap3A_146 = vector.shape_cast %mul3A_141 : vector<16xf32> to vector<1x16xf32>
        tpu.vector_store %arg12[%swap3A_142, %swap3A_143], %swap3A_146 {strides = array<i32>} : memref<128x16xf32, #tpu.memory_space<vmem>>, vector<1x16xf32>,
        %add3A_147 = arith.constant 8 : i32
        %add3A_148 = arith.addi %mul3A_29, %add3A_147 : i32
        %get3A_149 = arith.index_cast %add3A_148 : i32 to index
        %get3A_150 = arith.constant 0 : index
        %get3A_151 = tpu.vector_load %arg12[%get3A_149, %get3A_150] {strides = array<i32>} : memref<128x16xf32, #tpu.memory_space<vmem>>, vector<1x16xf32>,
        %get3A_152 = vector.shape_cast %get3A_151 : vector<1x16xf32> to vector<16xf32>
        %slice3A_153 = vector.extract_strided_slice %get3A_27 {offsets = [8], sizes = [1], strides = [1]} : vector<16xf32> to vector<1xf32>
        %squeeze3A_154 = vector.extract %slice3A_153[0] : f32 from vector<1xf32>
        %mul3A_155 = vector.broadcast %squeeze3A_154 : f32 to vector<16xf32>
        %mul3A_156 = arith.mulf %get3A_152, %mul3A_155 : vector<16xf32>
        %swap3A_157 = arith.index_cast %add3A_148 : i32 to index
        %swap3A_158 = arith.constant 0 : index
        %swap3A_159 = tpu.vector_load %arg12[%swap3A_157, %swap3A_158] {strides = array<i32>} : memref<128x16xf32, #tpu.memory_space<vmem>>, vector<1x16xf32>,
        %swap3A_160 = vector.shape_cast %swap3A_159 : vector<1x16xf32> to vector<16xf32>
        %swap3A_161 = vector.shape_cast %mul3A_156 : vector<16xf32> to vector<1x16xf32>
        tpu.vector_store %arg12[%swap3A_157, %swap3A_158], %swap3A_161 {strides = array<i32>} : memref<128x16xf32, #tpu.memory_space<vmem>>, vector<1x16xf32>,
        %add3A_162 = arith.constant 9 : i32
        %add3A_163 = arith.addi %mul3A_29, %add3A_162 : i32
        %get3A_164 = arith.index_cast %add3A_163 : i32 to index
        %get3A_165 = arith.constant 0 : index
        %get3A_166 = tpu.vector_load %arg12[%get3A_164, %get3A_165] {strides = array<i32>} : memref<128x16xf32, #tpu.memory_space<vmem>>, vector<1x16xf32>,
        %get3A_167 = vector.shape_cast %get3A_166 : vector<1x16xf32> to vector<16xf32>
        %slice3A_168 = vector.extract_strided_slice %get3A_27 {offsets = [9], sizes = [1], strides = [1]} : vector<16xf32> to vector<1xf32>
        %squeeze3A_169 = vector.extract %slice3A_168[0] : f32 from vector<1xf32>
        %mul3A_170 = vector.broadcast %squeeze3A_169 : f32 to vector<16xf32>
        %mul3A_171 = arith.mulf %get3A_167, %mul3A_170 : vector<16xf32>
        %swap3A_172 = arith.index_cast %add3A_163 : i32 to index
        %swap3A_173 = arith.constant 0 : index
        %swap3A_174 = tpu.vector_load %arg12[%swap3A_172, %swap3A_173] {strides = array<i32>} : memref<128x16xf32, #tpu.memory_space<vmem>>, vector<1x16xf32>,
        %swap3A_175 = vector.shape_cast %swap3A_174 : vector<1x16xf32> to vector<16xf32>
        %swap3A_176 = vector.shape_cast %mul3A_171 : vector<16xf32> to vector<1x16xf32>
        tpu.vector_store %arg12[%swap3A_172, %swap3A_173], %swap3A_176 {strides = array<i32>} : memref<128x16xf32, #tpu.memory_space<vmem>>, vector<1x16xf32>,
        %add3A_177 = arith.constant 10 : i32
        %add3A_178 = arith.addi %mul3A_29, %add3A_177 : i32
        %get3A_179 = arith.index_cast %add3A_178 : i32 to index
        %get3A_180 = arith.constant 0 : index
        %get3A_181 = tpu.vector_load %arg12[%get3A_179, %get3A_180] {strides = array<i32>} : memref<128x16xf32, #tpu.memory_space<vmem>>, vector<1x16xf32>,
        %get3A_182 = vector.shape_cast %get3A_181 : vector<1x16xf32> to vector<16xf32>
        %slice3A_183 = vector.extract_strided_slice %get3A_27 {offsets = [10], sizes = [1], strides = [1]} : vector<16xf32> to vector<1xf32>
        %squeeze3A_184 = vector.extract %slice3A_183[0] : f32 from vector<1xf32>
        %mul3A_185 = vector.broadcast %squeeze3A_184 : f32 to vector<16xf32>
        %mul3A_186 = arith.mulf %get3A_182, %mul3A_185 : vector<16xf32>
        %swap3A_187 = arith.index_cast %add3A_178 : i32 to index
        %swap3A_188 = arith.constant 0 : index
        %swap3A_189 = tpu.vector_load %arg12[%swap3A_187, %swap3A_188] {strides = array<i32>} : memref<128x16xf32, #tpu.memory_space<vmem>>, vector<1x16xf32>,
        %swap3A_190 = vector.shape_cast %swap3A_189 : vector<1x16xf32> to vector<16xf32>
        %swap3A_191 = vector.shape_cast %mul3A_186 : vector<16xf32> to vector<1x16xf32>
        tpu.vector_store %arg12[%swap3A_187, %swap3A_188], %swap3A_191 {strides = array<i32>} : memref<128x16xf32, #tpu.memory_space<vmem>>, vector<1x16xf32>,
        %add3A_192 = arith.constant 11 : i32
        %add3A_193 = arith.addi %mul3A_29, %add3A_192 : i32
        %get3A_194 = arith.index_cast %add3A_193 : i32 to index
        %get3A_195 = arith.constant 0 : index
        %get3A_196 = tpu.vector_load %arg12[%get3A_194, %get3A_195] {strides = array<i32>} : memref<128x16xf32, #tpu.memory_space<vmem>>, vector<1x16xf32>,
        %get3A_197 = vector.shape_cast %get3A_196 : vector<1x16xf32> to vector<16xf32>
        %slice3A_198 = vector.extract_strided_slice %get3A_27 {offsets = [11], sizes = [1], strides = [1]} : vector<16xf32> to vector<1xf32>
        %squeeze3A_199 = vector.extract %slice3A_198[0] : f32 from vector<1xf32>
        %mul3A_200 = vector.broadcast %squeeze3A_199 : f32 to vector<16xf32>
        %mul3A_201 = arith.mulf %get3A_197, %mul3A_200 : vector<16xf32>
        %swap3A_202 = arith.index_cast %add3A_193 : i32 to index
        %swap3A_203 = arith.constant 0 : index
        %swap3A_204 = tpu.vector_load %arg12[%swap3A_202, %swap3A_203] {strides = array<i32>} : memref<128x16xf32, #tpu.memory_space<vmem>>, vector<1x16xf32>,
        %swap3A_205 = vector.shape_cast %swap3A_204 : vector<1x16xf32> to vector<16xf32>
        %swap3A_206 = vector.shape_cast %mul3A_201 : vector<16xf32> to vector<1x16xf32>
        tpu.vector_store %arg12[%swap3A_202, %swap3A_203], %swap3A_206 {strides = array<i32>} : memref<128x16xf32, #tpu.memory_space<vmem>>, vector<1x16xf32>,
        %add3A_207 = arith.constant 12 : i32
        %add3A_208 = arith.addi %mul3A_29, %add3A_207 : i32
        %get3A_209 = arith.index_cast %add3A_208 : i32 to index
        %get3A_210 = arith.constant 0 : index
        %get3A_211 = tpu.vector_load %arg12[%get3A_209, %get3A_210] {strides = array<i32>} : memref<128x16xf32, #tpu.memory_space<vmem>>, vector<1x16xf32>,
        %get3A_212 = vector.shape_cast %get3A_211 : vector<1x16xf32> to vector<16xf32>
        %slice3A_213 = vector.extract_strided_slice %get3A_27 {offsets = [12], sizes = [1], strides = [1]} : vector<16xf32> to vector<1xf32>
        %squeeze3A_214 = vector.extract %slice3A_213[0] : f32 from vector<1xf32>
        %mul3A_215 = vector.broadcast %squeeze3A_214 : f32 to vector<16xf32>
        %mul3A_216 = arith.mulf %get3A_212, %mul3A_215 : vector<16xf32>
        %swap3A_217 = arith.index_cast %add3A_208 : i32 to index
        %swap3A_218 = arith.constant 0 : index
        %swap3A_219 = tpu.vector_load %arg12[%swap3A_217, %swap3A_218] {strides = array<i32>} : memref<128x16xf32, #tpu.memory_space<vmem>>, vector<1x16xf32>,
        %swap3A_220 = vector.shape_cast %swap3A_219 : vector<1x16xf32> to vector<16xf32>
        %swap3A_221 = vector.shape_cast %mul3A_216 : vector<16xf32> to vector<1x16xf32>
        tpu.vector_store %arg12[%swap3A_217, %swap3A_218], %swap3A_221 {strides = array<i32>} : memref<128x16xf32, #tpu.memory_space<vmem>>, vector<1x16xf32>,
        %add3A_222 = arith.constant 13 : i32
        %add3A_223 = arith.addi %mul3A_29, %add3A_222 : i32
        %get3A_224 = arith.index_cast %add3A_223 : i32 to index
        %get3A_225 = arith.constant 0 : index
        %get3A_226 = tpu.vector_load %arg12[%get3A_224, %get3A_225] {strides = array<i32>} : memref<128x16xf32, #tpu.memory_space<vmem>>, vector<1x16xf32>,
        %get3A_227 = vector.shape_cast %get3A_226 : vector<1x16xf32> to vector<16xf32>
        %slice3A_228 = vector.extract_strided_slice %get3A_27 {offsets = [13], sizes = [1], strides = [1]} : vector<16xf32> to vector<1xf32>
        %squeeze3A_229 = vector.extract %slice3A_228[0] : f32 from vector<1xf32>
        %mul3A_230 = vector.broadcast %squeeze3A_229 : f32 to vector<16xf32>
        %mul3A_231 = arith.mulf %get3A_227, %mul3A_230 : vector<16xf32>
        %swap3A_232 = arith.index_cast %add3A_223 : i32 to index
        %swap3A_233 = arith.constant 0 : index
        %swap3A_234 = tpu.vector_load %arg12[%swap3A_232, %swap3A_233] {strides = array<i32>} : memref<128x16xf32, #tpu.memory_space<vmem>>, vector<1x16xf32>,
        %swap3A_235 = vector.shape_cast %swap3A_234 : vector<1x16xf32> to vector<16xf32>
        %swap3A_236 = vector.shape_cast %mul3A_231 : vector<16xf32> to vector<1x16xf32>
        tpu.vector_store %arg12[%swap3A_232, %swap3A_233], %swap3A_236 {strides = array<i32>} : memref<128x16xf32, #tpu.memory_space<vmem>>, vector<1x16xf32>,
        %add3A_237 = arith.constant 14 : i32
        %add3A_238 = arith.addi %mul3A_29, %add3A_237 : i32
        %get3A_239 = arith.index_cast %add3A_238 : i32 to index
        %get3A_240 = arith.constant 0 : index
        %get3A_241 = tpu.vector_load %arg12[%get3A_239, %get3A_240] {strides = array<i32>} : memref<128x16xf32, #tpu.memory_space<vmem>>, vector<1x16xf32>,
        %get3A_242 = vector.shape_cast %get3A_241 : vector<1x16xf32> to vector<16xf32>
        %slice3A_243 = vector.extract_strided_slice %get3A_27 {offsets = [14], sizes = [1], strides = [1]} : vector<16xf32> to vector<1xf32>
        %squeeze3A_244 = vector.extract %slice3A_243[0] : f32 from vector<1xf32>
        %mul3A_245 = vector.broadcast %squeeze3A_244 : f32 to vector<16xf32>
        %mul3A_246 = arith.mulf %get3A_242, %mul3A_245 : vector<16xf32>
        %swap3A_247 = arith.index_cast %add3A_238 : i32 to index
        %swap3A_248 = arith.constant 0 : index
        %swap3A_249 = tpu.vector_load %arg12[%swap3A_247, %swap3A_248] {strides = array<i32>} : memref<128x16xf32, #tpu.memory_space<vmem>>, vector<1x16xf32>,
        %swap3A_250 = vector.shape_cast %swap3A_249 : vector<1x16xf32> to vector<16xf32>
        %swap3A_251 = vector.shape_cast %mul3A_246 : vector<16xf32> to vector<1x16xf32>
        tpu.vector_store %arg12[%swap3A_247, %swap3A_248], %swap3A_251 {strides = array<i32>} : memref<128x16xf32, #tpu.memory_space<vmem>>, vector<1x16xf32>,
        %add3A_252 = arith.constant 15 : i32
        %add3A_253 = arith.addi %mul3A_29, %add3A_252 : i32
        %get3A_254 = arith.index_cast %add3A_253 : i32 to index
        %get3A_255 = arith.constant 0 : index
        %get3A_256 = tpu.vector_load %arg12[%get3A_254, %get3A_255] {strides = array<i32>} : memref<128x16xf32, #tpu.memory_space<vmem>>, vector<1x16xf32>,
        %get3A_257 = vector.shape_cast %get3A_256 : vector<1x16xf32> to vector<16xf32>
        %slice3A_258 = vector.extract_strided_slice %get3A_27 {offsets = [15], sizes = [1], strides = [1]} : vector<16xf32> to vector<1xf32>
        %squeeze3A_259 = vector.extract %slice3A_258[0] : f32 from vector<1xf32>
        %mul3A_260 = vector.broadcast %squeeze3A_259 : f32 to vector<16xf32>
        %mul3A_261 = arith.mulf %get3A_257, %mul3A_260 : vector<16xf32>
        %swap3A_262 = arith.index_cast %add3A_253 : i32 to index
        %swap3A_263 = arith.constant 0 : index
        %swap3A_264 = tpu.vector_load %arg12[%swap3A_262, %swap3A_263] {strides = array<i32>} : memref<128x16xf32, #tpu.memory_space<vmem>>, vector<1x16xf32>,
        %swap3A_265 = vector.shape_cast %swap3A_264 : vector<1x16xf32> to vector<16xf32>
        %swap3A_266 = vector.shape_cast %mul3A_261 : vector<16xf32> to vector<1x16xf32>
        tpu.vector_store %arg12[%swap3A_262, %swap3A_263], %swap3A_266 {strides = array<i32>} : memref<128x16xf32, #tpu.memory_space<vmem>>, vector<1x16xf32>,
      }
      %scan3A_21 = arith.constant 8 : i32
      "tpu.region"() ({
        %run_scoped3A = tpu.sem_alloc : memref<!tpu.dma_semaphore, #tpu.memory_space<semaphore_mem>>
        %dma_start3A = arith.constant 0 : i32
        %dma_start3A_22 = tpu.memref_slice %arg10[%scan3A_15, %dma_start3A] : memref<80x128xi32, #tpu.memory_space<vmem>> -> memref<1x128xi32, #tpu.memory_space<vmem>>
        %dma_start3A_23 = tpu.memref_squeeze %dma_start3A_22 : memref<1x128xi32, #tpu.memory_space<vmem>> -> memref<128xi32, #tpu.memory_space<vmem>>
        %dma_start3A_24 = arith.constant 0 : i32
        %dma_start3A_25 = arith.constant 0 : i32
        %dma_start3A_26 = tpu.memref_slice %arg8[%dma_start3A_24, %dma_start3A_25] : memref<10112x16xf32, #tpu.memory_space<vmem_shared>> -> memref<10112x16xf32, #tpu.memory_space<vmem_shared>>
        tpu.enqueue_indirect_dma source(%arg12 : memref<128x16xf32, #tpu.memory_space<vmem>>) target(%dma_start3A_26 : memref<10112x16xf32, #tpu.memory_space<vmem_shared>>) offsets(%dma_start3A_23 : memref<128xi32, #tpu.memory_space<vmem>>) semaphore(%run_scoped3A : memref<!tpu.dma_semaphore, #tpu.memory_space<semaphore_mem>>) {add = true}
        %dma_wait3A = arith.constant 0 : i32
        %dma_wait3A_27 = tpu.memref_slice %arg10[%scan3A_15, %dma_wait3A] : memref<80x128xi32, #tpu.memory_space<vmem>> -> memref<1x128xi32, #tpu.memory_space<vmem>>
        %dma_wait3A_28 = tpu.memref_squeeze %dma_wait3A_27 : memref<1x128xi32, #tpu.memory_space<vmem>> -> memref<128xi32, #tpu.memory_space<vmem>>
        %dma_wait3A_29 = arith.constant 0 : i32
        %dma_wait3A_30 = arith.constant 0 : i32
        %dma_wait3A_31 = tpu.memref_slice %arg8[%dma_wait3A_29, %dma_wait3A_30] : memref<10112x16xf32, #tpu.memory_space<vmem_shared>> -> memref<10112x16xf32, #tpu.memory_space<vmem_shared>>
        tpu.wait_indirect_dma semaphore(%run_scoped3A : memref<!tpu.dma_semaphore, #tpu.memory_space<semaphore_mem>>) src(%arg12 : memref<128x16xf32, #tpu.memory_space<vmem>>) dst(%dma_wait3A_31 : memref<10112x16xf32, #tpu.memory_space<vmem_shared>>)
        tpu.yield
      }) : () -> ()
    }
    %scan3A_9 = arith.constant 80 : i32
    %barrier3A_10 = arith.constant 0 : index
    tpu.barrier barrier_id(%barrier3A_10)
    %mul3A_11 = arith.constant 632 : i32
    %mul3A_12 = arith.muli %arg1, %mul3A_11 : i32
    %mul3A_13 = arith.constant 632 : i32
    %mul3A_14 = arith.muli %arg1, %mul3A_13 : i32
    "tpu.region"() ({
      %run_scoped3A = tpu.sem_alloc : memref<!tpu.dma_semaphore, #tpu.memory_space<semaphore_mem>>
      %dma_start3A = arith.constant 0 : i32
      %dma_start3A_15 = tpu.memref_slice %arg7[%arg0, %mul3A_14, %dma_start3A] : memref<2x10112x16xf32, #tpu.memory_space<hbm>> -> memref<1x632x16xf32, #tpu.memory_space<hbm>>
      %dma_start3A_16 = tpu.memref_squeeze %dma_start3A_15 : memref<1x632x16xf32, #tpu.memory_space<hbm>> -> memref<632x16xf32, #tpu.memory_space<hbm>>
      %dma_start3A_17 = arith.constant 0 : i32
      %dma_start3A_18 = tpu.memref_slice %arg8[%mul3A_12, %dma_start3A_17] : memref<10112x16xf32, #tpu.memory_space<vmem_shared>> -> memref<632x16xf32, #tpu.memory_space<vmem_shared>>
      tpu.enqueue_dma source(%dma_start3A_18 : memref<632x16xf32, #tpu.memory_space<vmem_shared>>) target(%dma_start3A_16 : memref<632x16xf32, #tpu.memory_space<hbm>>) target_semaphore(%run_scoped3A : memref<!tpu.dma_semaphore, #tpu.memory_space<semaphore_mem>>)
      %dma_wait3A = arith.constant 0 : i32
      %dma_wait3A_19 = tpu.memref_slice %arg7[%arg0, %mul3A_14, %dma_wait3A] : memref<2x10112x16xf32, #tpu.memory_space<hbm>> -> memref<1x632x16xf32, #tpu.memory_space<hbm>>
      %dma_wait3A_20 = tpu.memref_squeeze %dma_wait3A_19 : memref<1x632x16xf32, #tpu.memory_space<hbm>> -> memref<632x16xf32, #tpu.memory_space<hbm>>
      %dma_wait3A_21 = arith.constant 0 : i32
      %dma_wait3A_22 = tpu.memref_slice %arg8[%mul3A_12, %dma_wait3A_21] : memref<10112x16xf32, #tpu.memory_space<vmem_shared>> -> memref<632x16xf32, #tpu.memory_space<vmem_shared>>
      tpu.wait_dma2 semaphore(%run_scoped3A : memref<!tpu.dma_semaphore, #tpu.memory_space<semaphore_mem>>) src(%dma_wait3A_22 : memref<632x16xf32, #tpu.memory_space<vmem_shared>>) dst(%dma_wait3A_20 : memref<632x16xf32, #tpu.memory_space<hbm>>)
      tpu.yield
    }) : () -> ()
    return
  }
}

module attributes {stable_mosaic.version = 14 : i64} {
  func.func @body(%arg0: memref<10000x128xf32, #tpu.memory_space<vmem>>, %arg1: memref<16x128xf32, #tpu.memory_space<vmem>>, %arg2: memref<10000x16xf32, #tpu.memory_space<vmem>>) attributes {dimension_semantics = [], scalar_prefetch = 0 : i64, scratch_operands = 0 : i64, tpu.core_type = #tpu.core_type<tc>} {
    %get3A = arith.constant 0 : index
    %get3A_0 = arith.constant 0 : index
    %get3A_1 = vector.load %arg0[%get3A, %get3A_0] : memref<10000x128xf32, #tpu.memory_space<vmem>>, vector<10000x128xf32>
    %get3A_2 = arith.constant 0 : index
    %get3A_3 = arith.constant 0 : index
    %get3A_4 = vector.load %arg1[%get3A_2, %get3A_3] : memref<16x128xf32, #tpu.memory_space<vmem>>, vector<16x128xf32>
    %dot_general3A = arith.constant dense<0.000000e+00> : vector<10000x16xf32>
    %dot_general3A_5 = tpu.matmul %get3A_1, %get3A_4, %dot_general3A {dimension_numbers = #tpu.dot_dimension_numbers<[1], [1], [0], [0], [0, 0, 1, 0], [], []>, transpose_lhs_hint = false} : vector<10000x128xf32>, vector<16x128xf32>, vector<10000x16xf32> -> vector<10000x16xf32>
    %swap3A = arith.constant 0 : index
    %swap3A_6 = arith.constant 0 : index
    %swap3A_7 = vector.load %arg2[%swap3A, %swap3A_6] : memref<10000x16xf32, #tpu.memory_space<vmem>>, vector<10000x16xf32>
    tpu.vector_store %arg2[%swap3A, %swap3A_6], %dot_general3A_5 {strides = array<i32>} : memref<10000x16xf32, #tpu.memory_space<vmem>>, vector<10000x16xf32>,
    return
  }
}

module attributes {stable_mosaic.version = 14 : i64} {
  func.func @body(%arg0: memref<10000x16xf32, #tpu.memory_space<vmem>>, %arg1: memref<10000x1xf32, #tpu.memory_space<vmem>>, %arg2: memref<10000x16xf32, #tpu.memory_space<vmem>>, %arg3: memref<10000x16xf32, #tpu.memory_space<vmem>>, %arg4: memref<1x16xf32, #tpu.memory_space<vmem>>, %arg5: memref<10000x16xf32, #tpu.memory_space<vmem>>) attributes {dimension_semantics = [], scalar_prefetch = 0 : i64, scratch_operands = 0 : i64, tpu.core_type = #tpu.core_type<tc>} {
    %get3A = arith.constant 0 : index
    %get3A_0 = arith.constant 0 : index
    %get3A_1 = vector.load %arg0[%get3A, %get3A_0] : memref<10000x16xf32, #tpu.memory_space<vmem>>, vector<10000x16xf32>
    %get3A_2 = arith.constant 0 : index
    %get3A_3 = arith.constant 0 : index
    %get3A_4 = vector.load %arg1[%get3A_2, %get3A_3] : memref<10000x1xf32, #tpu.memory_space<vmem>>, vector<10000x1xf32>
    %add3A = arith.constant 1.000000e+00 : f32
    %add3A_5 = vector.broadcast %add3A : f32 to vector<10000x1xf32>
    %add3A_6 = arith.addf %get3A_4, %add3A_5 : vector<10000x1xf32>
    %mul3A = vector.broadcast %add3A_6 : vector<10000x1xf32> to vector<10000x16xf32>
    %mul3A_7 = arith.mulf %get3A_1, %mul3A : vector<10000x16xf32>
    %get3A_8 = arith.constant 0 : index
    %get3A_9 = arith.constant 0 : index
    %get3A_10 = vector.load %arg2[%get3A_8, %get3A_9] : memref<10000x16xf32, #tpu.memory_space<vmem>>, vector<10000x16xf32>
    %add3A_11 = arith.addf %mul3A_7, %get3A_10 : vector<10000x16xf32>
    %get3A_12 = arith.constant 0 : index
    %get3A_13 = arith.constant 0 : index
    %get3A_14 = vector.load %arg3[%get3A_12, %get3A_13] : memref<10000x16xf32, #tpu.memory_space<vmem>>, vector<10000x16xf32>
    %add3A_15 = arith.addf %add3A_11, %get3A_14 : vector<10000x16xf32>
    %get3A_16 = arith.constant 0 : index
    %get3A_17 = arith.constant 0 : index
    %get3A_18 = vector.load %arg4[%get3A_16, %get3A_17] : memref<1x16xf32, #tpu.memory_space<vmem>>, vector<1x16xf32>
    %add3A_19 = vector.broadcast %get3A_18 : vector<1x16xf32> to vector<10000x16xf32>
    %add3A_20 = arith.addf %add3A_15, %add3A_19 : vector<10000x16xf32>
    %max3A = arith.constant 0.000000e+00 : f32
    %max3A_21 = vector.broadcast %max3A : f32 to vector<10000x16xf32>
    %max3A_22 = arith.maximumf %add3A_20, %max3A_21 : vector<10000x16xf32>
    %swap3A = arith.constant 0 : index
    %swap3A_23 = arith.constant 0 : index
    %swap3A_24 = vector.load %arg5[%swap3A, %swap3A_23] : memref<10000x16xf32, #tpu.memory_space<vmem>>, vector<10000x16xf32>
    tpu.vector_store %arg5[%swap3A, %swap3A_23], %max3A_22 {strides = array<i32>} : memref<10000x16xf32, #tpu.memory_space<vmem>>, vector<10000x16xf32>,
    return
  }
}

module attributes {stable_mosaic.version = 14 : i64} {
  func.func @body(%arg0: memref<10000x16xf32, #tpu.memory_space<vmem>>, %arg1: memref<10000x1xf32, #tpu.memory_space<vmem>>, %arg2: memref<10000x16xf32, #tpu.memory_space<vmem>>, %arg3: memref<10000x16xf32, #tpu.memory_space<vmem>>, %arg4: memref<2x16xf32, #tpu.memory_space<vmem>>, %arg5: memref<1x2xf32, #tpu.memory_space<vmem>>, %arg6: memref<10000x2xf32, #tpu.memory_space<vmem>>) attributes {dimension_semantics = [], scalar_prefetch = 0 : i64, scratch_operands = 0 : i64, tpu.core_type = #tpu.core_type<tc>} {
    %get3A = arith.constant 0 : index
    %get3A_0 = arith.constant 0 : index
    %get3A_1 = vector.load %arg0[%get3A, %get3A_0] : memref<10000x16xf32, #tpu.memory_space<vmem>>, vector<10000x16xf32>
    %get3A_2 = arith.constant 0 : index
    %get3A_3 = arith.constant 0 : index
    %get3A_4 = vector.load %arg1[%get3A_2, %get3A_3] : memref<10000x1xf32, #tpu.memory_space<vmem>>, vector<10000x1xf32>
    %add3A = arith.constant 1.000000e+00 : f32
    %add3A_5 = vector.broadcast %add3A : f32 to vector<10000x1xf32>
    %add3A_6 = arith.addf %get3A_4, %add3A_5 : vector<10000x1xf32>
    %mul3A = vector.broadcast %add3A_6 : vector<10000x1xf32> to vector<10000x16xf32>
    %mul3A_7 = arith.mulf %get3A_1, %mul3A : vector<10000x16xf32>
    %get3A_8 = arith.constant 0 : index
    %get3A_9 = arith.constant 0 : index
    %get3A_10 = vector.load %arg2[%get3A_8, %get3A_9] : memref<10000x16xf32, #tpu.memory_space<vmem>>, vector<10000x16xf32>
    %add3A_11 = arith.addf %mul3A_7, %get3A_10 : vector<10000x16xf32>
    %get3A_12 = arith.constant 0 : index
    %get3A_13 = arith.constant 0 : index
    %get3A_14 = vector.load %arg3[%get3A_12, %get3A_13] : memref<10000x16xf32, #tpu.memory_space<vmem>>, vector<10000x16xf32>
    %add3A_15 = arith.addf %add3A_11, %get3A_14 : vector<10000x16xf32>
    %get3A_16 = arith.constant 0 : index
    %get3A_17 = arith.constant 0 : index
    %get3A_18 = vector.load %arg4[%get3A_16, %get3A_17] : memref<2x16xf32, #tpu.memory_space<vmem>>, vector<2x16xf32>
    %dot_general3A = arith.constant dense<0.000000e+00> : vector<10000x2xf32>
    %dot_general3A_19 = tpu.matmul %add3A_15, %get3A_18, %dot_general3A {dimension_numbers = #tpu.dot_dimension_numbers<[1], [1], [0], [0], [0, 0, 1, 0], [], []>, transpose_lhs_hint = false} : vector<10000x16xf32>, vector<2x16xf32>, vector<10000x2xf32> -> vector<10000x2xf32>
    %get3A_20 = arith.constant 0 : index
    %get3A_21 = arith.constant 0 : index
    %get3A_22 = vector.load %arg5[%get3A_20, %get3A_21] : memref<1x2xf32, #tpu.memory_space<vmem>>, vector<1x2xf32>
    %add3A_23 = vector.broadcast %get3A_22 : vector<1x2xf32> to vector<10000x2xf32>
    %add3A_24 = arith.addf %dot_general3A_19, %add3A_23 : vector<10000x2xf32>
    %swap3A = arith.constant 0 : index
    %swap3A_25 = arith.constant 0 : index
    %swap3A_26 = vector.load %arg6[%swap3A, %swap3A_25] : memref<10000x2xf32, #tpu.memory_space<vmem>>, vector<10000x2xf32>
    tpu.vector_store %arg6[%swap3A, %swap3A_25], %add3A_24 {strides = array<i32>} : memref<10000x2xf32, #tpu.memory_space<vmem>>, vector<10000x2xf32>,
    return
  }
}

</mosaic_0001>

<sc_bundles>
// kernel: kernel.10.cloned.1.call-start
scs
__scs_entry_jumppad:
0x0: {  	(pc) =	sbr.rel $0x88, $3  }
0x1: {  	(tag) =	ssettag $0x0;
	lr =	simm.s32 $0x1  }
0x2: {  	[smem:$0x3F99] =	sst lr;
	_ =	strace $0xD0000000  }
0x3: {  	_ = 	snop  }
0x4: {  	_ = 	snop  }
0x5: {  	_ = 	snop  }
0x6: {  	_ = 	snop  }
0x7: {  	_ = 	snop  }
__scs_overlays_trampoline_lowered:
0x8: {  	[smem:$0x3FA8] =	sst s0  }
0x9: {  	[smem:$0x3FA9] =	sst s1  }
0xa: {  	[smem:$0x3FAA] =	sst s2  }
0xb: {  	[smem:$0x3FAB] =	sst s3  }
0xc: {  	[smem:$0x3FAC] =	sst s4  }
0xd: {  	[smem:$0x3FAD] =	sst s5  }
0xe: {  	[smem:$0x3FAE] =	sst s6  }
0xf: {  	[smem:$0x3FAF] =	sst s7  }
0x10: {  	[smem:$0x3FB0] =	sst s8  }
0x11: {  	[smem:$0x3FB1] =	sst s9;
	s0 =	simm.s32 @!p0 $0x0  }
0x12: {  	s1 =	sld [smem:$0x3F97];
	s0 =	simm.s32 @p0 $0x1  }
0x13: {  	[smem:$0x3FB2] =	sst s0;
	s0 =	simm.s32 @!p1 $0x0  }
0x14: {  	s2 =	sld [smem:$0x3F96];
	s0 =	simm.s32 @p1 $0x1  }
0x15: {  	[smem:$0x3FB3] =	sst s0;
	s0 =	simm.s32 @!p2 $0x0  }
0x16: {  	s3 =	sld [smem:$0x3FDB];
	s0 =	simm.s32 @p2 $0x1  }
0x17: {  	s4 =	simm.s32 $0x1BF5;
	[smem:$0x3FB5] =	sst s0  }
0x18: {  	s0 =	sld [smem:$0x3F98];
	_ =	swait.ge [sflag:s4], $0x0  }
0x19: {  	s7 =	sld [smem:$0x3F99]  }
0x1a: {  	s8 =	sadd.s32 $0xFFFFE003, lr  }
0x1b: {  	s9 =	sadd.s32 $0xFFFFFEF7, lr;
	s5 =	simm.s32 $0xFFFFFFFF;
	p2 =	slt.u32 s8, $0xFFFFF086  }
0x1c: {  	p1 =	slt.u32 s9, $0xF7A;
	s5 =	simm.s32 @!p2 $0x0  }
0x1d: {  	s5 =	simm.s32 @p1 $0x1;
	p0 =	seq.s32 s7, s2  }
0x1e: {  	s7 =	smul.u32 @!p0 $0xF7A, s2;
	p2 =	seq.s32 @!p0 s5, $0x0  }
0x1f: {  	s9 =	smul.u32 $0xF7A, s1;
	s8 =	simm.s32 @!p0 $0x1BF5;
	p2 =	por !p2, p0  }
0x20: {  	[sflag:s8] =	ssyncset.s32 @!p0 $0xFFFFF086;
	s6 =	sadd.s32 @!p0 s3, s7;
	s7 =	simm.s32 @!p0 $0x108  }
0x21: {  	s3 =	sadd.s32 s3, s9;
	s6 =	sadd.s32 @!p0 $0x88, s6;
	s7 =	simm.s32 @p2 $0x1082  }
0x22: {  	[simem:s7], [sflag:s8] =	dma.local @!p0 [hbm:s6], $0xF7A  }
0x23: {  	s9 =	sor.u32 $0xD0000000, s2;
	s6 =	simm.s32 $0x108;
	_ =	swait.ge @!p0 [sflag:s8], $0x0  }
0x24: {  	s3 =	sadd.s32 $0x88, s3;
	s6 =	simm.s32 @!p1 $0x1082;
	[sflag:s4] =	ssyncset.s32 $0xFFFFF086  }
0x25: {  	[simem:s6], [sflag:s4] =	dma.local [hbm:s3], $0xF7A  }
0x26: {  	[smem:$0x3F99] =	sst s1;
	(tag) =	ssettag s2;
	_ =	strace s9  }
0x27: {  	s1 =	sld [smem:$0x3FA9]  }
0x28: {  	s2 =	sld [smem:$0x3FAA]  }
0x29: {  	s4 =	sld [smem:$0x3FAC]  }
0x2a: {  	p0 =	seq.s32 s5, $0x0;
	s5 =	sld [smem:$0x3FAD]  }
0x2b: {  	s6 =	sld [smem:$0x3FAE]  }
0x2c: {  	s7 =	sld [smem:$0x3FAF]  }
0x2d: {  	s3 =	simm.s32 $0x108;
	s8 =	sld [smem:$0x3FB0]  }
0x2e: {  	s3 =	simm.s32 @!p0 $0x1082;
	s9 =	sld [smem:$0x3FB1]  }
0x2f: {  	lr =	sadd.s32 s0, s3;
	s0 =	sld [smem:$0x3FA8]  }
0x30: {  	s3 =	sld [smem:$0x3FAB]  }
0x31: {  	[smem:$0x3FB4] =	sst s10  }
0x32: {  	s10 =	sld [smem:$0x3FB2];
	_ =	sdelay $0x3  }
0x33: {  	p0 =	seq.s32 s10, $0x1;
	s10 =	sld [smem:$0x3FB4];
	_ =	sdelay $0x3  }
0x34: {  	[smem:$0x3FB4] =	sst s10  }
0x35: {  	s10 =	sld [smem:$0x3FB3];
	_ =	sdelay $0x3  }
0x36: {  	p1 =	seq.s32 s10, $0x1;
	s10 =	sld [smem:$0x3FB4];
	_ =	sdelay $0x3  }
0x37: {  	[smem:$0x3FB4] =	sst s10  }
0x38: {  	s10 =	sld [smem:$0x3FB5]  }
0x39: {  	_ = 	snop;
	(pc) =	sbr.ind lr, $3  }
0x3a: {  	_ = 	snop  }
0x3b: {  	_ = 	snop  }
0x3c: {  	p2 =	seq.s32 s10, $0x1;
	s10 =	sld [smem:$0x3FB4]  }
0x3d: {  	_ =	shalt  }
0x3e: {  	_ =	shalt  }
0x3f: {  	_ =	shalt  }
0x40: {  	_ =	shalt  }
0x41: {  	_ =	shalt  }
0x42: {  	_ =	shalt  }
0x43: {  	_ =	shalt  }
0x44: {  	_ =	shalt  }
0x45: {  	_ =	shalt  }
0x46: {  	_ =	shalt  }
0x47: {  	_ =	shalt  }
0x48: {  	_ =	shalt  }
0x49: {  	_ =	shalt  }
0x4a: {  	_ =	shalt  }
0x4b: {  	_ =	shalt  }
0x4c: {  	_ =	shalt  }
0x4d: {  	_ =	shalt  }
0x4e: {  	_ =	shalt  }
0x4f: {  	_ =	shalt  }
0x50: {  	_ =	shalt  }
0x51: {  	_ =	shalt  }
0x52: {  	_ =	shalt  }
0x53: {  	_ =	shalt  }
0x54: {  	_ =	shalt  }
0x55: {  	_ =	shalt  }
0x56: {  	_ =	shalt  }
0x57: {  	_ =	shalt  }
0x58: {  	_ =	shalt  }
0x59: {  	_ =	shalt  }
0x5a: {  	_ =	shalt  }
0x5b: {  	_ =	shalt  }
0x5c: {  	_ =	shalt  }
0x5d: {  	_ =	shalt  }
0x5e: {  	_ =	shalt  }
0x5f: {  	_ =	shalt  }
0x60: {  	_ =	shalt  }
0x61: {  	_ =	shalt  }
0x62: {  	_ =	shalt  }
0x63: {  	_ =	shalt  }
0x64: {  	_ =	shalt  }
0x65: {  	_ =	shalt  }
0x66: {  	_ =	shalt  }
0x67: {  	_ =	shalt  }
0x68: {  	_ =	shalt  }
0x69: {  	_ =	shalt  }
0x6a: {  	_ =	shalt  }
0x6b: {  	_ =	shalt  }
0x6c: {  	_ =	shalt  }
0x6d: {  	_ =	shalt  }
0x6e: {  	_ =	shalt  }
0x6f: {  	_ =	shalt  }
0x70: {  	_ =	shalt  }
0x71: {  	_ =	shalt  }
0x72: {  	_ =	shalt  }
0x73: {  	_ =	shalt  }
0x74: {  	_ =	shalt  }
0x75: {  	_ =	shalt  }
0x76: {  	_ =	shalt  }
0x77: {  	_ =	shalt  }
0x78: {  	_ =	shalt  }
0x79: {  	_ =	shalt  }
0x7a: {  	_ =	shalt  }
0x7b: {  	_ =	shalt  }
0x7c: {  	_ =	shalt  }
0x7d: {  	_ =	shalt  }
0x7e: {  	_ =	shalt  }
0x7f: {  	_ =	shalt  }
0x80: {  	_ =	shalt  }
0x81: {  	_ =	shalt  }
0x82: {  	_ =	shalt  }
0x83: {  	_ =	shalt  }
0x84: {  	_ =	shalt  }
0x85: {  	_ =	shalt  }
0x86: {  	_ =	shalt  }
0x87: {  	_ =	shalt  }
.Lfunc_end0:
.L_simem_size_0:
called_computation.1_lowered:
.L_overlay_start_0:
0x88: {  	s2 =	sld [smem:$0x3FD9]  }
0x89: {  	s3 =	sld [smem:$0x3FFE];
	_ =	sdelay $0x1  }
0x8a: {  	s1 =	srdreg.scid  }
0x8b: {  	s0 =	sand.u32 $0x1, s1  }
0x8c: {  	s16 =	sshll.u32 s0, $0xA;
	s2 =	sadd.s32 s3, s2  }
0x8d: {  	s2 =	sadd.s32 s2, s16  }
0x8e: {  	[smem:$0x3FC0] =	sst s2  }
0x8f: {  	_ = 	snop  }
0x90: {  	(tm) =	ssettm $0x1  }
0x91: {  	s17 =	sld [smem:$0x3FFB];
	_ =	sdelay $0x3  }
0x92: {  	_ =	strace s17  }
0x93: {  	s2 =	sld [smem:$0x3FFC];
	_ =	sdelay $0x3  }
0x94: {  	_ =	strace s2  }
0x95: {  	s2 =	sld [smem:$0x3FFD];
	_ =	sdelay $0x3  }
0x96: {  	_ =	strace s2  }
0x97: {  	_ =	strace $0x8FFFFFFF  }
0x98: {  	s18 =	sld [smem:$0x3FDB];
	_ =	sdelay $0x1  }
0x99: {  	s19 =	simm.s32 $_scs_section_size  }
0x9a: {  	s4 =	simm.s32 $_size__tile_overlayer_lowered;
	s5 =	simm.s32 $_tile_overlayer_lowered  }
0x9b: {  	s22 =	simm.s32 $0x1BFF;
	s21 =	sshll.u32 s5, $0x1;
	s2 =	sadd.s32 s19, s18  }
0x9c: {  	s6 =	simm.s32 $0x0;
	s20 =	sshll.u32 s4, $0x1;
	s4 =	sadd.s32 s21, s2  }
0x9d: {  	[timem:s6], [sflag:s22] =	dma.local [hbm:s4], s20  }
0x9e: {  	_ =	swait.ge [sflag:s22], s20  }
0x9f: {  	s3 =	ssub.s32 $0x0, s20;
	[sflag:s22] =	ssyncset.done $0x0  }
0xa0: {  	[sflag:s22] =	ssyncadd.s32 s3;
	_ =	sdelay $0x1  }
0xa1: {  	s23 =	simm.s32 $0x1B8B  }
0xa2: {  	_ =	swait.ge [sflag:s23], $0x1  }
0xa3: {  	[sflag:s23] =	ssyncset.done $0x0  }
0xa4: {  	s25 =	simm.s32 $0x1B8E;
	s24 =	sld [smem:$0x3FFE];
	[sflag:s23] =	ssyncadd.s32 $0xFFFFFFFF  }
0xa5: {  	s26 =	simm.s32 $execute0_lowered;
	[smem:$0x3FD2] =	sst s25  }
0xa6: {  	s4 =	sshll.u32 s26, $0x1;
	_ =	strace $0x80000049;
	[dreg:$0x1] =	wrdreg $0xFFFFFFFF  }
0xa7: {  	s28 =	simm.s32 $_size_execute0_lowered;
	s2 =	sadd.s32 s2, s4;
	[dreg:$0x0] =	wrdreg $0x0  }
0xa8: {  	s4 =	sshll.u32 s28, $0x1;
	[dreg:$0x2] =	wrdreg s2  }
0xa9: {  	[dreg:$0x3] =	wrdreg s4  }
0xaa: {  	[dreg:$0x4] =	wrdreg $0xC0  }
0xab: {  	_ =	task [dreg:s6], $0x5FFFF  }
0xac: {  	[dreg:$0x1] =	wrdreg $0xFFFFFFFF  }
0xad: {  	[dreg:$0x0] =	wrdreg $0x60  }
0xae: {  	[dreg:$0x2] =	wrdreg s24  }
0xaf: {  	[dreg:$0x3] =	wrdreg $0x0  }
0xb0: {  	[dreg:$0x4] =	wrdreg $0x9  }
0xb1: {  	_ =	task.clear_ibuf [dreg:s6], $0x5FFFF;
	_ =	strace $0x90000049  }
0xb2: {  	s29 =	simm.s32 $0x9;
	_ =	strace $0x8000004B  }
0xb3: {  	_ =	swait.ge [sflag:s29], $0x1  }
0xb4: {  	[sflag:s29] =	ssyncadd.s32 $0xFFFFFFFF  }
0xb5: {  	_ =	strace $0x9000004B  }
0xb6: {  	_ =	sfence  }
0xb7: {  	s30 =	sld [smem:$0x0];
	_ =	sdelay $0x2  }
0xb8: {  	s31 =	sshll.u32 s1, $0xD;
	s1 =	sshrl.u32 s1, $0x2  }
0xb9: {  	s3 =	sand.u32 $0x4000, s31;
	s1 =	sadd.s32 s1, s30  }
0xba: {  	s0 =	sor.u32 s3, s0;
	s1 =	sshll.u32 s1, $0x11  }
0xbb: {  	s0 =	sor.u32 s1, s0  }
0xbc: {  	s0 =	sadd.s32 $0x8F2B, s0  }
0xbd: {  	[sflag:s0] =	ssyncadd.remote.s32 $0x1  }
0xbe: {  	_ =	sfence.sel $0xFFFF  }
0xbf: {  	[dreg:$0x0] =	wrdreg $0xFFFFFFFF;
	(pc) =	sbr.abs _section_cstart, $3  }
0xc0: {  	[dreg:$0x1] =	wrdreg $0xFFFFFFFF  }
0xc1: {  	_ =	task.clear_ibuf [dreg:s6], $0x2FFFF;
	_ =	strace $0x9FFFFFFF  }
0xc2: {  	(tm) =	ssettm $0x7FFFFFFF  }
0xc3: {  	_ =	shalt  }
tec
execute0_lowered:
.L_overlay_start_1:
0x0: {  	(tag) =	ssettag $0x1  }
0x1: {  	s6 =	rddreg [dreg:$0x0]  }
0x2: {  	s0 =	srdreg.scid;
	s2 =	rddreg [dreg:$0x1];
	s3 =	simm.s32 $0x0  }
0x3: {  	s14 =	simm.s32 $0x2780;
	s15 =	simm.s32 $0x4F80;
	s16 =	simm.s32 $0x80  }
0x4: {  	s17 =	simm.s32 $0x9F80;
	s5 =	sand.u32 $0x1, s0;
	s0 =	stileid.u32  }
0x5: {  	s18 =	simm.s32 $0x0;
	[smem:$0x7FF] =	sst s3;
	s8 =	smul.u32 $0x2780, s0  }
0x6: {  	s4 =	sadd.s32 $0x14C00, s6;
	s1 =	sshll.u32 s5, $0x4;
	s9 =	smul.u32 $0x27800, s5  }
0x7: {  	s5 =	ssub.s32 $0x2, s5;
	s31 =	sshll.u32 s0, $0x6;
	s1 =	sor.u32 s0, s1  }
0x8: {  	s11 =	sshrl.u32 s5, $0x1;
	s7 =	smul.u32 $0x500, s1;
	s1 =	rddreg [dreg:$0x2]  }
0x9: {  	_ =	strace $0x8000004A;
	s30 =	sshrl.u32 s8, $0x3;
	s9 =	sadd.s32 s8, s9  }
0xa: {  	s11 =	ssub.s32 s5, s11;
	s13 =	sadd.s32 s8, s2;
	s9 =	sshrl.u32 s9, $0x3  }
0xb: {  	s11 =	smax.u32 s11, $0x1;
	s10 =	sadd.s32 s7, s6;
	s7 =	sadd.s32 s30, s6  }
0xc: {  	s12 =	sadd.s32 s9, s6;
	s6 =	sor.u32 $0x1C01, s31;
	s5 =	sadd.s32 $0x23C00, s7  }
0xd: {  	s7 =	sadd.s32 $0xAC00, s10;
	s8 =	sadd.s32 $0xC00, s10;
	s9 =	sadd.s32 $0x19C00, s10  }
0xe: {  	s10 =	sadd.s32 $0x28C00, s12;
	s12 =	sshrl.u32 s13, $0x3;
	s13 =	simm.s32 $0x1  }
.LBB2_1:
0xf: {  	[spmem:s12], [sflag:s6] =	dma.local [hbm:s5], $0x4F0  }
0x10: {  	_ =	swait.ge [sflag:s13], $0x4F0  }
0x11: {  	[sflag:s13] =	ssyncset.done $0x0  }
0x12: {  	[sflag:s13] =	ssyncadd.s32 $0xFFFFFB10  }
0x13: {  	[tilespmem:s14], [sflag:$0x1] =	stream.linear.gather [hbm4b:s7+s3], $0x2800, $0x38;
	[tilespmem:$0xA780] =	vst v63  }
0x14: {  	_ =	swait.ge [sflag:s13], $0x2800  }
0x15: {  	[sflag:s13] =	ssyncset.done $0x0  }
0x16: {  	[sflag:s13] =	ssyncadd.s32 $0xFFFFD800  }
0x17: {  	[tilespmem:s15], [sflag:$0x1] =	stream.linear.gather [hbm4b:s8+s3], $0x2800, $0x38;
	[tilespmem:$0xA780] =	vst v63  }
0x18: {  	_ =	swait.ge [sflag:s13], $0x2800  }
0x19: {  	[sflag:s13] =	ssyncset.done $0x0  }
0x1a: {  	s19 =	simm.s32 $0x7780;
	[sflag:s13] =	ssyncadd.s32 $0xFFFFD800  }
0x1b: {  	[tilespmem:s19], [sflag:$0x1] =	stream.linear.gather [hbm4b:s9+s3], $0x2800, $0x38;
	[tilespmem:$0xA780] =	vst v63  }
0x1c: {  	_ =	swait.ge [sflag:s13], $0x2800  }
0x1d: {  	[sflag:s13] =	ssyncset.done $0x0  }
0x1e: {  	[sflag:s13] =	ssyncadd.s32 $0xFFFFD800  }
0x1f: {  	s20 =	simm.s32 $0x0;
	[bflag:$0x0] =	sbarrier.arrive $0xFFFF  }
.LBB2_2:
0x20: {  	s21 =	sshll.u32 s20, $0x7  }
0x21: {  	v0 =	vmov s19;
	s22 =	sadd.s32 $0x2780, s21  }
0x22: {  	[tilespmem:s17], [sflag:$0x1] =	stream.indirect.gather [hbm4b:s4+s16], $0x10, s22, s16, $0xb8;
	[tilespmem:$0xA780] =	vst v63  }
0x23: {  	_ =	swait.ge [sflag:s13], $0x800  }
0x24: {  	[sflag:s13] =	ssyncset.done $0x0  }
0x25: {  	s31 =	simm.s32 $0x0;
	[sflag:s13] =	ssyncadd.s32 $0xFFFFF800  }
0x26: {  	v1 =	vld.idx.msk [tilespmem:v0+s31+$0x0 ss:$0x1], $0xffff  }
0x27: {  	s22 =	simm.s32 $0xA000  }
0x28: {  	v2 =	vld [tilespmem:s22+$0xFFFFFF80]  }
0x29: {  	v3 =	vld [tilespmem:s22+$0xFFFFFF90]  }
0x2a: {  	v4 =	vld [tilespmem:s22+$0xFFFFFFA0]  }
0x2b: {  	v5 =	vld [tilespmem:s22+$0xFFFFFFB0];
	v6 =	vbroadcast v1, $0x0  }
0x2c: {  	v9 =	vld [tilespmem:s22+$0xFFFFFFD0];
	v7 =	vbroadcast v1, $0x1  }
0x2d: {  	v8 =	vld [tilespmem:s22+$0xFFFFFFC0];
	v10 =	vbroadcast v1, $0x2;
	v2 =	vmul.f32 v6, v2  }
0x2e: {  	v49 =	vld [tilespmem:s22+$0xFFFFFFE0];
	v48 =	vbroadcast v1, $0x3;
	v3 =	vmul.f32 v3, v7  }
0x2f: {  	v51 =	vld [tilespmem:s22+$0x10];
	v50 =	vbroadcast v1, $0x5;
	v4 =	vmul.f32 v4, v10;
	[tilespmem:s22+$0xFFFFFF80] =	vst v2  }
0x30: {  	v11 =	vld [tilespmem:s22+$0xFFFFFFF0];
	v5 =	vmul.f32 v5, v48;
	v2 =	vbroadcast v1, $0x4;
	[tilespmem:s22+$0xFFFFFF90] =	vst v3  }
0x31: {  	v12 =	vbroadcast v1, $0x6;
	v6 =	vmul.f32 v9, v50;
	v3 =	vld [tilespmem:s22+$0x0];
	[tilespmem:s22+$0xFFFFFFA0] =	vst v4  }
0x32: {  	v57 =	vld [tilespmem:s22+$0x50];
	v55 =	vbroadcast v1, $0x9;
	[tilespmem:s22+$0xFFFFFFB0] =	vst v5;
	v2 =	vmul.f32 v8, v2  }
0x33: {  	v53 =	vld [tilespmem:s22+$0x20];
	v52 =	vbroadcast v1, $0x7;
	v7 =	vmul.f32 v49, v12;
	[tilespmem:s22+$0xFFFFFFD0] =	vst v6  }
0x34: {  	v54 =	vld [tilespmem:s22+$0x30];
	v59 =	vmul.f32 v51, v55;
	[tilespmem:s22+$0xFFFFFFC0] =	vst v2;
	v2 =	vbroadcast v1, $0x8  }
0x35: {  	v56 =	vld [tilespmem:s22+$0x40];
	v62 =	vbroadcast v1, $0xD;
	v4 =	vmul.f32 v11, v52;
	[tilespmem:s22+$0xFFFFFFE0] =	vst v7  }
0x36: {  	v60 =	vld [tilespmem:s22+$0x60];
	v58 =	vbroadcast v1, $0xA;
	[tilespmem:s22+$0x10] =	vst v59;
	v2 =	vmul.f32 v3, v2  }
0x37: {  	v61 =	vld [tilespmem:s22+$0x70];
	v5 =	vmul.f32 v57, v62;
	[tilespmem:s22+$0xFFFFFFF0] =	vst v4;
	v3 =	vbroadcast v1, $0xB  }
0x38: {  	v8 =	vmul.f32 v53, v58;
	[tilespmem:s22+$0x0] =	vst v2;
	v2 =	vbroadcast v1, $0xC  }
0x39: {  	v63 =	vbroadcast v1, $0xE;
	[tilespmem:s22+$0x50] =	vst v5;
	v3 =	vmul.f32 v54, v3  }
0x3a: {  	[tilespmem:s22+$0x20] =	vst v8;
	v1 =	vbroadcast v1, $0xF;
	v2 =	vmul.f32 v56, v2  }
0x3b: {  	[tilespmem:s22+$0x30] =	vst v3;
	v3 =	vmul.f32 v60, v63  }
0x3c: {  	v1 =	vmul.f32 v61, v1;
	[tilespmem:s22+$0x40] =	vst v2  }
0x3d: {  	[tilespmem:s22+$0x60] =	vst v3  }
0x3e: {  	s24 =	simm.s32 $0x10;
	s23 =	simm.s32 $0x80;
	[tilespmem:s22+$0x70] =	vst v1  }
.LBB2_3:
0x3f: {  	p0 =	sne.s32 s23, $0x1C0;
	v1 =	vld.idx.msk [tilespmem:v0+s24+$0x0 ss:$0x1], $0xffff;
	s22 =	sadd.s32 $0x100, s22  }
0x40: {  	v2 =	vld [tilespmem:s22+$0xFFFFFFB0]  }
0x41: {  	v3 =	vld [tilespmem:s22+$0xFFFFFF90]  }
0x42: {  	v4 =	vld [tilespmem:s22+$0xFFFFFF80]  }
0x43: {  	v5 =	vld [tilespmem:s22+$0xFFFFFFA0]  }
0x44: {  	v6 =	vld [tilespmem:s22+$0xFFFFFFF0]  }
0x45: {  	v7 =	vbroadcast v1, $0x0;
	v8 =	vbroadcast v1, $0x1;
	v9 =	vld [tilespmem:s22+$0xFFFFFFD0]  }
0x46: {  	v10 =	vbroadcast v1, $0x2;
	v11 =	vbroadcast v1, $0x3;
	v12 =	vld [tilespmem:s22+$0xFFFFFFC0]  }
0x47: {  	v3 =	vmul.f32 v3, v8;
	v4 =	vmul.f32 v7, v4;
	v7 =	vld [tilespmem:s22+$0xFFFFFFE0]  }
0x48: {  	v2 =	vmul.f32 v2, v11;
	v5 =	vmul.f32 v5, v10;
	v8 =	vld [tilespmem:s22+$0x30]  }
0x49: {  	v10 =	vbroadcast v1, $0x5;
	[tilespmem:s22+$0xFFFFFF80] =	vst v4;
	v4 =	vbroadcast v1, $0x4;
	v11 =	vld [tilespmem:s22+$0x10]  }
0x4a: {  	v13 =	vbroadcast v1, $0x7;
	[tilespmem:s22+$0xFFFFFF90] =	vst v3;
	v3 =	vbroadcast v1, $0x6;
	v14 =	vld [tilespmem:s22+$0x0]  }
0x4b: {  	[tilespmem:s22+$0xFFFFFFA0] =	vst v5;
	v4 =	vmul.f32 v12, v4;
	v5 =	vmul.f32 v9, v10;
	v9 =	vld [tilespmem:s22+$0x20]  }
0x4c: {  	[tilespmem:s22+$0xFFFFFFB0] =	vst v2;
	v2 =	vmul.f32 v7, v3;
	v3 =	vmul.f32 v6, v13;
	v6 =	vld [tilespmem:s22+$0x70]  }
0x4d: {  	v7 =	vbroadcast v1, $0x9;
	[tilespmem:s22+$0xFFFFFFC0] =	vst v4;
	v4 =	vbroadcast v1, $0x8;
	v10 =	vld [tilespmem:s22+$0x50]  }
0x4e: {  	v12 =	vbroadcast v1, $0xB;
	[tilespmem:s22+$0xFFFFFFD0] =	vst v5;
	v5 =	vbroadcast v1, $0xA;
	v13 =	vld [tilespmem:s22+$0x40]  }
0x4f: {  	[tilespmem:s22+$0xFFFFFFE0] =	vst v2;
	v2 =	vmul.f32 v14, v4;
	v4 =	vmul.f32 v11, v7;
	v7 =	vld [tilespmem:s22+$0x60]  }
0x50: {  	[tilespmem:s22+$0xFFFFFFF0] =	vst v3;
	v3 =	vmul.f32 v9, v5;
	v5 =	vmul.f32 v8, v12  }
0x51: {  	v8 =	vbroadcast v1, $0xD;
	[tilespmem:s22+$0x0] =	vst v2;
	v2 =	vbroadcast v1, $0xC  }
0x52: {  	[tilespmem:s22+$0x10] =	vst v4;
	v4 =	vbroadcast v1, $0xE;
	v1 =	vbroadcast v1, $0xF  }
0x53: {  	[tilespmem:s22+$0x20] =	vst v3;
	v2 =	vmul.f32 v13, v2;
	v3 =	vmul.f32 v10, v8  }
.Ltmp0:
0x54: {  	[tilespmem:s22+$0x30] =	vst v5;
	v4 =	vmul.f32 v7, v4;
	v1 =	vmul.f32 v6, v1;
	(pc) =	sbr.rel @p0 .LBB2_3-.Ltmp0, $4  }
0x55: {  	[tilespmem:s22+$0x40] =	vst v2  }
0x56: {  	[tilespmem:s22+$0x50] =	vst v3  }
0x57: {  	[tilespmem:s22+$0x60] =	vst v4  }
0x58: {  	s24 =	sshra.s32 s23, $0x2;
	s23 =	sadd.s32 $0x40, s23;
	[tilespmem:s22+$0x70] =	vst v1  }
0x59: {  	_ =	sdelay $0x3  }
0x5a: {  	v0 =	vld.idx.msk [tilespmem:v0+s24+$0x0 ss:$0x1], $0xffff;
	_ =	sdelay $0x3  }
0x5b: {  	s22 =	sadd.s32 $0x100, s22  }
0x5c: {  	v1 =	vld [tilespmem:s22+$0xFFFFFF80];
	v5 =	vbroadcast v0, $0x0  }
0x5d: {  	v2 =	vld [tilespmem:s22+$0xFFFFFF90];
	v6 =	vbroadcast v0, $0x1;
	v9 =	vbroadcast v0, $0x2  }
0x5e: {  	v3 =	vld [tilespmem:s22+$0xFFFFFFA0];
	v42 =	vbroadcast v0, $0x3;
	v44 =	vbroadcast v0, $0x4  }
0x5f: {  	v4 =	vld [tilespmem:s22+$0xFFFFFFB0];
	v45 =	vbroadcast v0, $0x5;
	v11 =	vbroadcast v0, $0x6  }
0x60: {  	v8 =	vld [tilespmem:s22+$0xFFFFFFD0];
	v48 =	vbroadcast v0, $0x7;
	v51 =	vbroadcast v0, $0x8  }
0x61: {  	v43 =	vld [tilespmem:s22+$0xFFFFFFE0];
	v52 =	vbroadcast v0, $0x9;
	v1 =	vmul.f32 v5, v1  }
0x62: {  	v47 =	vld [tilespmem:s22+$0x10];
	v55 =	vbroadcast v0, $0xA;
	v2 =	vmul.f32 v2, v6  }
0x63: {  	v58 =	vld [tilespmem:s22+$0x60];
	v56 =	vbroadcast v0, $0xB;
	v3 =	vmul.f32 v3, v9;
	[tilespmem:s22+$0xFFFFFF80] =	vst v1  }
0x64: {  	v59 =	vld [tilespmem:s22+$0x70];
	v60 =	vbroadcast v0, $0xC;
	v4 =	vmul.f32 v4, v42;
	[tilespmem:s22+$0xFFFFFF90] =	vst v2  }
0x65: {  	v7 =	vld [tilespmem:s22+$0xFFFFFFC0];
	v61 =	vbroadcast v0, $0xD;
	v5 =	vmul.f32 v8, v45;
	[tilespmem:s22+$0xFFFFFFA0] =	vst v3  }
0x66: {  	v10 =	vld [tilespmem:s22+$0xFFFFFFF0];
	v62 =	vbroadcast v0, $0xE;
	v6 =	vmul.f32 v43, v11;
	[tilespmem:s22+$0xFFFFFFB0] =	vst v4  }
0x67: {  	v49 =	vld [tilespmem:s22+$0x20];
	v0 =	vbroadcast v0, $0xF;
	v57 =	vmul.f32 v47, v52;
	[tilespmem:s22+$0xFFFFFFD0] =	vst v5  }
0x68: {  	v50 =	vld [tilespmem:s22+$0x30];
	v63 =	vmul.f32 v58, v62;
	[tilespmem:s22+$0xFFFFFFE0] =	vst v6  }
0x69: {  	v46 =	vld [tilespmem:s22+$0x0];
	v0 =	vmul.f32 v59, v0;
	[tilespmem:s22+$0x10] =	vst v57  }
0x6a: {  	v54 =	vld [tilespmem:s22+$0x50];
	v1 =	vmul.f32 v7, v44;
	[tilespmem:s22+$0x60] =	vst v63  }
0x6b: {  	v53 =	vld [tilespmem:s22+$0x40];
	v3 =	vmul.f32 v10, v48;
	[tilespmem:s22+$0x70] =	vst v0  }
0x6c: {  	v7 =	vmul.f32 v49, v55;
	[tilespmem:s22+$0xFFFFFFC0] =	vst v1  }
0x6d: {  	v2 =	vmul.f32 v50, v56;
	[tilespmem:s22+$0xFFFFFFF0] =	vst v3  }
0x6e: {  	v1 =	vmul.f32 v46, v51;
	[tilespmem:s22+$0x20] =	vst v7  }
0x6f: {  	v4 =	vmul.f32 v54, v61;
	[tilespmem:s22+$0x30] =	vst v2  }
0x70: {  	s20 =	sadd.s32 $0x1, s20;
	[tilespmem:s22+$0x0] =	vst v1;
	v1 =	vmul.f32 v53, v60  }
0x71: {  	p0 =	sne.s32 s20, $0x50;
	[tilespmem:s22+$0x50] =	vst v4  }
.Ltmp1:
0x72: {  	s21 =	sadd.s32 $0x4F80, s21;
	[tilespmem:s22+$0x40] =	vst v1;
	(pc) =	sbr.rel @p0 .LBB2_2-.Ltmp1, $4  }
0x73: {  	[spmem:s2] =	stream.indirect.scatter.add.f32 [tilespmem:s17], [sflag:$0x1], $0x10, s21, s16, $0xb8;
	[tilespmem:$0xA780] =	vst v63  }
0x74: {  	_ =	swait.ge [sflag:s13], $0x800  }
0x75: {  	[sflag:s13] =	ssyncset.done $0x0  }
0x76: {  	s19 =	sadd.s32 $0x80, s19;
	[sflag:s13] =	ssyncadd.s32 $0xFFFFF800  }
0x77: {  	s18 =	sadd.s32 $0x1, s18  }
0x78: {  	p0 =	sne.s32 s18, s11  }
.Ltmp2:
0x79: {  	[bflag:$0x0] =	sbarrier.arrive $0xFFFF;
	(pc) =	sbr.rel @p0 .LBB2_1-.Ltmp2, $4  }
0x7a: {  	[hbm:s10], [sflag:s6] =	dma.local [spmem:s12], $0x4F0  }
0x7b: {  	_ =	swait.ge [sflag:s13], $0x4F0  }
0x7c: {  	[sflag:s13] =	ssyncset.done $0x0  }
0x7d: {  	[sflag:s13] =	ssyncadd.s32 $0xFFFFFB10  }
0x7e: {  	_ =	sfence.sel $0x180000  }
0x7f: {  	[bflag:$0x0] =	sbarrier.arrive $0xFFFF  }
0x80: {  	p0 =	sne.s32 s0, $0x0;
	_ =	strace $0x9000004A  }
0x81: {  	s0 =	sadd.s32 @!p0 $0x100000, s1;
	[bflag:$0x2] =	sbarrier.arrive $0xFFFF  }
0x82: {  	[sflag:s0] =	ssyncadd.tile.s32 @!p0 $0x1;
	_ =	shalt  }
.Lfunc_end2:
_tile_overlayer_lowered:
.L_overlay_start_2:
0x83: {  	(tag) =	ssettag $0x2  }
0x84: {  	s0 =	rddreg [dreg:$0x0];
	s2 =	stileid.u32  }
0x85: {  	s1 =	rddreg [dreg:$0x1];
	p0 =	sne.s32 s2, $0x0  }
0x86: {  	s3 =	rddreg [dreg:$0x2];
	[bflag:$0x3] =	sbarrier.arrive $0xFFFF;
	s2 =	simm.s32 @!p0 $0x1C01  }
0x87: {  	[timem:s3], [sflag:s2] =	dma.local @!p0 [hbm:s0], s1  }
0x88: {  	s0 =	simm.s32 @!p0 $0x1  }
0x89: {  	_ =	swait.ge @!p0 [sflag:s0], s1  }
0x8a: {  	s1 =	ssub.s32 @!p0 $0x0, s1;
	[sflag:s0] =	ssyncset.done @!p0 $0x0  }
0x8b: {  	[sflag:s0] =	ssyncadd.s32 @!p0 s1  }
0x8c: {  	[bflag:$0x3] =	sbarrier.arrive $0xFFFF  }
0x8d: {  	_ =	shalt  }

// kernel: kernel.7.cloned.1.call-start
scs
__scs_entry_jumppad:
0x0: {  	(pc) =	sbr.rel $0x88, $3  }
0x1: {  	(tag) =	ssettag $0x0;
	lr =	simm.s32 $0x1  }
0x2: {  	[smem:$0x3F99] =	sst lr;
	_ =	strace $0xD0000000  }
0x3: {  	_ = 	snop  }
0x4: {  	_ = 	snop  }
0x5: {  	_ = 	snop  }
0x6: {  	_ = 	snop  }
0x7: {  	_ = 	snop  }
__scs_overlays_trampoline_lowered:
0x8: {  	[smem:$0x3FA8] =	sst s0  }
0x9: {  	[smem:$0x3FA9] =	sst s1  }
0xa: {  	[smem:$0x3FAA] =	sst s2  }
0xb: {  	[smem:$0x3FAB] =	sst s3  }
0xc: {  	[smem:$0x3FAC] =	sst s4  }
0xd: {  	[smem:$0x3FAD] =	sst s5  }
0xe: {  	[smem:$0x3FAE] =	sst s6  }
0xf: {  	[smem:$0x3FAF] =	sst s7  }
0x10: {  	[smem:$0x3FB0] =	sst s8  }
0x11: {  	[smem:$0x3FB1] =	sst s9;
	s0 =	simm.s32 @!p0 $0x0  }
0x12: {  	s1 =	sld [smem:$0x3F97];
	s0 =	simm.s32 @p0 $0x1  }
0x13: {  	[smem:$0x3FB2] =	sst s0;
	s0 =	simm.s32 @!p1 $0x0  }
0x14: {  	s2 =	sld [smem:$0x3F96];
	s0 =	simm.s32 @p1 $0x1  }
0x15: {  	[smem:$0x3FB3] =	sst s0;
	s0 =	simm.s32 @!p2 $0x0  }
0x16: {  	s3 =	sld [smem:$0x3FDB];
	s0 =	simm.s32 @p2 $0x1  }
0x17: {  	s4 =	simm.s32 $0x1BF5;
	[smem:$0x3FB5] =	sst s0  }
0x18: {  	s0 =	sld [smem:$0x3F98];
	_ =	swait.ge [sflag:s4], $0x0  }
0x19: {  	s7 =	sld [smem:$0x3F99]  }
0x1a: {  	s8 =	sadd.s32 $0xFFFFE003, lr  }
0x1b: {  	s9 =	sadd.s32 $0xFFFFFEF7, lr;
	s5 =	simm.s32 $0xFFFFFFFF;
	p2 =	slt.u32 s8, $0xFFFFF086  }
0x1c: {  	p1 =	slt.u32 s9, $0xF7A;
	s5 =	simm.s32 @!p2 $0x0  }
0x1d: {  	s5 =	simm.s32 @p1 $0x1;
	p0 =	seq.s32 s7, s2  }
0x1e: {  	s7 =	smul.u32 @!p0 $0xF7A, s2;
	p2 =	seq.s32 @!p0 s5, $0x0  }
0x1f: {  	s9 =	smul.u32 $0xF7A, s1;
	s8 =	simm.s32 @!p0 $0x1BF5;
	p2 =	por !p2, p0  }
0x20: {  	[sflag:s8] =	ssyncset.s32 @!p0 $0xFFFFF086;
	s6 =	sadd.s32 @!p0 s3, s7;
	s7 =	simm.s32 @!p0 $0x108  }
0x21: {  	s3 =	sadd.s32 s3, s9;
	s6 =	sadd.s32 @!p0 $0x88, s6;
	s7 =	simm.s32 @p2 $0x1082  }
0x22: {  	[simem:s7], [sflag:s8] =	dma.local @!p0 [hbm:s6], $0xF7A  }
0x23: {  	s9 =	sor.u32 $0xD0000000, s2;
	s6 =	simm.s32 $0x108;
	_ =	swait.ge @!p0 [sflag:s8], $0x0  }
0x24: {  	s3 =	sadd.s32 $0x88, s3;
	s6 =	simm.s32 @!p1 $0x1082;
	[sflag:s4] =	ssyncset.s32 $0xFFFFF086  }
0x25: {  	[simem:s6], [sflag:s4] =	dma.local [hbm:s3], $0xF7A  }
0x26: {  	[smem:$0x3F99] =	sst s1;
	(tag) =	ssettag s2;
	_ =	strace s9  }
0x27: {  	s1 =	sld [smem:$0x3FA9]  }
0x28: {  	s2 =	sld [smem:$0x3FAA]  }
0x29: {  	s4 =	sld [smem:$0x3FAC]  }
0x2a: {  	p0 =	seq.s32 s5, $0x0;
	s5 =	sld [smem:$0x3FAD]  }
0x2b: {  	s6 =	sld [smem:$0x3FAE]  }
0x2c: {  	s7 =	sld [smem:$0x3FAF]  }
0x2d: {  	s3 =	simm.s32 $0x108;
	s8 =	sld [smem:$0x3FB0]  }
0x2e: {  	s3 =	simm.s32 @!p0 $0x1082;
	s9 =	sld [smem:$0x3FB1]  }
0x2f: {  	lr =	sadd.s32 s0, s3;
	s0 =	sld [smem:$0x3FA8]  }
0x30: {  	s3 =	sld [smem:$0x3FAB]  }
0x31: {  	[smem:$0x3FB4] =	sst s10  }
0x32: {  	s10 =	sld [smem:$0x3FB2];
	_ =	sdelay $0x3  }
0x33: {  	p0 =	seq.s32 s10, $0x1;
	s10 =	sld [smem:$0x3FB4];
	_ =	sdelay $0x3  }
0x34: {  	[smem:$0x3FB4] =	sst s10  }
0x35: {  	s10 =	sld [smem:$0x3FB3];
	_ =	sdelay $0x3  }
0x36: {  	p1 =	seq.s32 s10, $0x1;
	s10 =	sld [smem:$0x3FB4];
	_ =	sdelay $0x3  }
0x37: {  	[smem:$0x3FB4] =	sst s10  }
0x38: {  	s10 =	sld [smem:$0x3FB5]  }
0x39: {  	_ = 	snop;
	(pc) =	sbr.ind lr, $3  }
0x3a: {  	_ = 	snop  }
0x3b: {  	_ = 	snop  }
0x3c: {  	p2 =	seq.s32 s10, $0x1;
	s10 =	sld [smem:$0x3FB4]  }
0x3d: {  	_ =	shalt  }
0x3e: {  	_ =	shalt  }
0x3f: {  	_ =	shalt  }
0x40: {  	_ =	shalt  }
0x41: {  	_ =	shalt  }
0x42: {  	_ =	shalt  }
0x43: {  	_ =	shalt  }
0x44: {  	_ =	shalt  }
0x45: {  	_ =	shalt  }
0x46: {  	_ =	shalt  }
0x47: {  	_ =	shalt  }
0x48: {  	_ =	shalt  }
0x49: {  	_ =	shalt  }
0x4a: {  	_ =	shalt  }
0x4b: {  	_ =	shalt  }
0x4c: {  	_ =	shalt  }
0x4d: {  	_ =	shalt  }
0x4e: {  	_ =	shalt  }
0x4f: {  	_ =	shalt  }
0x50: {  	_ =	shalt  }
0x51: {  	_ =	shalt  }
0x52: {  	_ =	shalt  }
0x53: {  	_ =	shalt  }
0x54: {  	_ =	shalt  }
0x55: {  	_ =	shalt  }
0x56: {  	_ =	shalt  }
0x57: {  	_ =	shalt  }
0x58: {  	_ =	shalt  }
0x59: {  	_ =	shalt  }
0x5a: {  	_ =	shalt  }
0x5b: {  	_ =	shalt  }
0x5c: {  	_ =	shalt  }
0x5d: {  	_ =	shalt  }
0x5e: {  	_ =	shalt  }
0x5f: {  	_ =	shalt  }
0x60: {  	_ =	shalt  }
0x61: {  	_ =	shalt  }
0x62: {  	_ =	shalt  }
0x63: {  	_ =	shalt  }
0x64: {  	_ =	shalt  }
0x65: {  	_ =	shalt  }
0x66: {  	_ =	shalt  }
0x67: {  	_ =	shalt  }
0x68: {  	_ =	shalt  }
0x69: {  	_ =	shalt  }
0x6a: {  	_ =	shalt  }
0x6b: {  	_ =	shalt  }
0x6c: {  	_ =	shalt  }
0x6d: {  	_ =	shalt  }
0x6e: {  	_ =	shalt  }
0x6f: {  	_ =	shalt  }
0x70: {  	_ =	shalt  }
0x71: {  	_ =	shalt  }
0x72: {  	_ =	shalt  }
0x73: {  	_ =	shalt  }
0x74: {  	_ =	shalt  }
0x75: {  	_ =	shalt  }
0x76: {  	_ =	shalt  }
0x77: {  	_ =	shalt  }
0x78: {  	_ =	shalt  }
0x79: {  	_ =	shalt  }
0x7a: {  	_ =	shalt  }
0x7b: {  	_ =	shalt  }
0x7c: {  	_ =	shalt  }
0x7d: {  	_ =	shalt  }
0x7e: {  	_ =	shalt  }
0x7f: {  	_ =	shalt  }
0x80: {  	_ =	shalt  }
0x81: {  	_ =	shalt  }
0x82: {  	_ =	shalt  }
0x83: {  	_ =	shalt  }
0x84: {  	_ =	shalt  }
0x85: {  	_ =	shalt  }
0x86: {  	_ =	shalt  }
0x87: {  	_ =	shalt  }
.Lfunc_end0:
.L_simem_size_0:
called_computation_lowered:
.L_overlay_start_0:
0x88: {  	s2 =	sld [smem:$0x3FD9]  }
0x89: {  	s3 =	sld [smem:$0x3FFE];
	_ =	sdelay $0x1  }
0x8a: {  	s1 =	srdreg.scid  }
0x8b: {  	s0 =	sand.u32 $0x1, s1  }
0x8c: {  	s16 =	sshll.u32 s0, $0xA;
	s2 =	sadd.s32 s3, s2  }
0x8d: {  	s2 =	sadd.s32 s2, s16  }
0x8e: {  	[smem:$0x3FC0] =	sst s2  }
0x8f: {  	_ = 	snop  }
0x90: {  	(tm) =	ssettm $0x1  }
0x91: {  	s17 =	sld [smem:$0x3FFB];
	_ =	sdelay $0x3  }
0x92: {  	_ =	strace s17  }
0x93: {  	s2 =	sld [smem:$0x3FFC];
	_ =	sdelay $0x3  }
0x94: {  	_ =	strace s2  }
0x95: {  	s2 =	sld [smem:$0x3FFD];
	_ =	sdelay $0x3  }
0x96: {  	_ =	strace s2  }
0x97: {  	_ =	strace $0x8FFFFFFF  }
0x98: {  	s18 =	sld [smem:$0x3FDB];
	_ =	sdelay $0x1  }
0x99: {  	s19 =	simm.s32 $_scs_section_size  }
0x9a: {  	s4 =	simm.s32 $_size__tile_overlayer_lowered;
	s5 =	simm.s32 $_tile_overlayer_lowered  }
0x9b: {  	s22 =	simm.s32 $0x1BFF;
	s21 =	sshll.u32 s5, $0x1;
	s2 =	sadd.s32 s19, s18  }
0x9c: {  	s6 =	simm.s32 $0x0;
	s20 =	sshll.u32 s4, $0x1;
	s4 =	sadd.s32 s21, s2  }
0x9d: {  	[timem:s6], [sflag:s22] =	dma.local [hbm:s4], s20  }
0x9e: {  	_ =	swait.ge [sflag:s22], s20  }
0x9f: {  	s3 =	ssub.s32 $0x0, s20;
	[sflag:s22] =	ssyncset.done $0x0  }
0xa0: {  	[sflag:s22] =	ssyncadd.s32 s3;
	_ =	sdelay $0x1  }
0xa1: {  	s23 =	simm.s32 $0x1B8B  }
0xa2: {  	_ =	swait.ge [sflag:s23], $0x1  }
0xa3: {  	[sflag:s23] =	ssyncset.done $0x0  }
0xa4: {  	s25 =	simm.s32 $0x1B8E;
	s24 =	sld [smem:$0x3FFE];
	[sflag:s23] =	ssyncadd.s32 $0xFFFFFFFF  }
0xa5: {  	s26 =	simm.s32 $execute0_lowered;
	[smem:$0x3FD2] =	sst s25  }
0xa6: {  	s4 =	sshll.u32 s26, $0x1;
	_ =	strace $0x80000046;
	[dreg:$0x1] =	wrdreg $0xFFFFFFFF  }
0xa7: {  	s28 =	simm.s32 $_size_execute0_lowered;
	s2 =	sadd.s32 s2, s4;
	[dreg:$0x0] =	wrdreg $0x0  }
0xa8: {  	s4 =	sshll.u32 s28, $0x1;
	[dreg:$0x2] =	wrdreg s2  }
0xa9: {  	[dreg:$0x3] =	wrdreg s4  }
0xaa: {  	[dreg:$0x4] =	wrdreg $0xC0  }
0xab: {  	_ =	task [dreg:s6], $0x5FFFF  }
0xac: {  	[dreg:$0x1] =	wrdreg $0xFFFFFFFF  }
0xad: {  	[dreg:$0x0] =	wrdreg $0x60  }
0xae: {  	[dreg:$0x2] =	wrdreg s24  }
0xaf: {  	[dreg:$0x3] =	wrdreg $0x0  }
0xb0: {  	[dreg:$0x4] =	wrdreg $0x9  }
0xb1: {  	_ =	task.clear_ibuf [dreg:s6], $0x5FFFF;
	_ =	strace $0x90000046  }
0xb2: {  	s29 =	simm.s32 $0x9;
	_ =	strace $0x80000048  }
0xb3: {  	_ =	swait.ge [sflag:s29], $0x1  }
0xb4: {  	[sflag:s29] =	ssyncadd.s32 $0xFFFFFFFF  }
0xb5: {  	_ =	strace $0x90000048  }
0xb6: {  	_ =	sfence  }
0xb7: {  	s30 =	sld [smem:$0x0];
	_ =	sdelay $0x2  }
0xb8: {  	s31 =	sshll.u32 s1, $0xD;
	s1 =	sshrl.u32 s1, $0x2  }
0xb9: {  	s3 =	sand.u32 $0x4000, s31;
	s1 =	sadd.s32 s1, s30  }
0xba: {  	s0 =	sor.u32 s3, s0;
	s1 =	sshll.u32 s1, $0x11  }
0xbb: {  	s0 =	sor.u32 s1, s0  }
0xbc: {  	s0 =	sadd.s32 $0x8F2B, s0  }
0xbd: {  	[sflag:s0] =	ssyncadd.remote.s32 $0x1  }
0xbe: {  	_ =	sfence.sel $0xFFFF  }
0xbf: {  	[dreg:$0x0] =	wrdreg $0xFFFFFFFF;
	(pc) =	sbr.abs _section_cstart, $3  }
0xc0: {  	[dreg:$0x1] =	wrdreg $0xFFFFFFFF  }
0xc1: {  	_ =	task.clear_ibuf [dreg:s6], $0x2FFFF;
	_ =	strace $0x9FFFFFFF  }
0xc2: {  	(tm) =	ssettm $0x7FFFFFFF  }
0xc3: {  	_ =	shalt  }
tec
execute0_lowered:
.L_overlay_start_1:
0x0: {  	(tag) =	ssettag $0x1  }
0x1: {  	s6 =	rddreg [dreg:$0x0]  }
0x2: {  	s0 =	srdreg.scid;
	s2 =	rddreg [dreg:$0x1];
	s3 =	simm.s32 $0x0  }
0x3: {  	s14 =	simm.s32 $0x2780;
	s15 =	simm.s32 $0x4F80;
	s16 =	simm.s32 $0x80  }
0x4: {  	s17 =	simm.s32 $0x9F80;
	s5 =	sand.u32 $0x1, s0;
	s0 =	stileid.u32  }
0x5: {  	s18 =	simm.s32 $0x0;
	[smem:$0x7FF] =	sst s3;
	s8 =	smul.u32 $0x2780, s0  }
0x6: {  	s4 =	sadd.s32 $0x14C00, s6;
	s1 =	sshll.u32 s5, $0x4;
	s9 =	smul.u32 $0x27800, s5  }
0x7: {  	s5 =	ssub.s32 $0x2, s5;
	s31 =	sshll.u32 s0, $0x6;
	s1 =	sor.u32 s0, s1  }
0x8: {  	s11 =	sshrl.u32 s5, $0x1;
	s7 =	smul.u32 $0x500, s1;
	s1 =	rddreg [dreg:$0x2]  }
0x9: {  	_ =	strace $0x80000047;
	s30 =	sshrl.u32 s8, $0x3;
	s9 =	sadd.s32 s8, s9  }
0xa: {  	s11 =	ssub.s32 s5, s11;
	s13 =	sadd.s32 s8, s2;
	s9 =	sshrl.u32 s9, $0x3  }
0xb: {  	s11 =	smax.u32 s11, $0x1;
	s10 =	sadd.s32 s7, s6;
	s7 =	sadd.s32 s30, s6  }
0xc: {  	s12 =	sadd.s32 s9, s6;
	s6 =	sor.u32 $0x1C01, s31;
	s5 =	sadd.s32 $0x23C00, s7  }
0xd: {  	s7 =	sadd.s32 $0xAC00, s10;
	s8 =	sadd.s32 $0xC00, s10;
	s9 =	sadd.s32 $0x19C00, s10  }
0xe: {  	s10 =	sadd.s32 $0x28C00, s12;
	s12 =	sshrl.u32 s13, $0x3;
	s13 =	simm.s32 $0x1  }
.LBB2_1:
0xf: {  	[spmem:s12], [sflag:s6] =	dma.local [hbm:s5], $0x4F0  }
0x10: {  	_ =	swait.ge [sflag:s13], $0x4F0  }
0x11: {  	[sflag:s13] =	ssyncset.done $0x0  }
0x12: {  	[sflag:s13] =	ssyncadd.s32 $0xFFFFFB10  }
0x13: {  	[tilespmem:s14], [sflag:$0x1] =	stream.linear.gather [hbm4b:s7+s3], $0x2800, $0x38;
	[tilespmem:$0xA780] =	vst v63  }
0x14: {  	_ =	swait.ge [sflag:s13], $0x2800  }
0x15: {  	[sflag:s13] =	ssyncset.done $0x0  }
0x16: {  	[sflag:s13] =	ssyncadd.s32 $0xFFFFD800  }
0x17: {  	[tilespmem:s15], [sflag:$0x1] =	stream.linear.gather [hbm4b:s8+s3], $0x2800, $0x38;
	[tilespmem:$0xA780] =	vst v63  }
0x18: {  	_ =	swait.ge [sflag:s13], $0x2800  }
0x19: {  	[sflag:s13] =	ssyncset.done $0x0  }
0x1a: {  	s19 =	simm.s32 $0x7780;
	[sflag:s13] =	ssyncadd.s32 $0xFFFFD800  }
0x1b: {  	[tilespmem:s19], [sflag:$0x1] =	stream.linear.gather [hbm4b:s9+s3], $0x2800, $0x38;
	[tilespmem:$0xA780] =	vst v63  }
0x1c: {  	_ =	swait.ge [sflag:s13], $0x2800  }
0x1d: {  	[sflag:s13] =	ssyncset.done $0x0  }
0x1e: {  	[sflag:s13] =	ssyncadd.s32 $0xFFFFD800  }
0x1f: {  	s20 =	simm.s32 $0x0;
	[bflag:$0x0] =	sbarrier.arrive $0xFFFF  }
.LBB2_2:
0x20: {  	s21 =	sshll.u32 s20, $0x7  }
0x21: {  	v0 =	vmov s19;
	s22 =	sadd.s32 $0x2780, s21  }
0x22: {  	[tilespmem:s17], [sflag:$0x1] =	stream.indirect.gather [hbm4b:s4+s16], $0x10, s22, s16, $0xb8;
	[tilespmem:$0xA780] =	vst v63  }
0x23: {  	_ =	swait.ge [sflag:s13], $0x800  }
0x24: {  	[sflag:s13] =	ssyncset.done $0x0  }
0x25: {  	s31 =	simm.s32 $0x0;
	[sflag:s13] =	ssyncadd.s32 $0xFFFFF800  }
0x26: {  	v1 =	vld.idx.msk [tilespmem:v0+s31+$0x0 ss:$0x1], $0xffff  }
0x27: {  	s22 =	simm.s32 $0xA000  }
0x28: {  	v2 =	vld [tilespmem:s22+$0xFFFFFF80]  }
0x29: {  	v3 =	vld [tilespmem:s22+$0xFFFFFF90]  }
0x2a: {  	v4 =	vld [tilespmem:s22+$0xFFFFFFA0]  }
0x2b: {  	v5 =	vld [tilespmem:s22+$0xFFFFFFB0];
	v6 =	vbroadcast v1, $0x0  }
0x2c: {  	v9 =	vld [tilespmem:s22+$0xFFFFFFD0];
	v7 =	vbroadcast v1, $0x1  }
0x2d: {  	v8 =	vld [tilespmem:s22+$0xFFFFFFC0];
	v10 =	vbroadcast v1, $0x2;
	v2 =	vmul.f32 v6, v2  }
0x2e: {  	v49 =	vld [tilespmem:s22+$0xFFFFFFE0];
	v48 =	vbroadcast v1, $0x3;
	v3 =	vmul.f32 v3, v7  }
0x2f: {  	v51 =	vld [tilespmem:s22+$0x10];
	v50 =	vbroadcast v1, $0x5;
	v4 =	vmul.f32 v4, v10;
	[tilespmem:s22+$0xFFFFFF80] =	vst v2  }
0x30: {  	v11 =	vld [tilespmem:s22+$0xFFFFFFF0];
	v5 =	vmul.f32 v5, v48;
	v2 =	vbroadcast v1, $0x4;
	[tilespmem:s22+$0xFFFFFF90] =	vst v3  }
0x31: {  	v12 =	vbroadcast v1, $0x6;
	v6 =	vmul.f32 v9, v50;
	v3 =	vld [tilespmem:s22+$0x0];
	[tilespmem:s22+$0xFFFFFFA0] =	vst v4  }
0x32: {  	v57 =	vld [tilespmem:s22+$0x50];
	v55 =	vbroadcast v1, $0x9;
	[tilespmem:s22+$0xFFFFFFB0] =	vst v5;
	v2 =	vmul.f32 v8, v2  }
0x33: {  	v53 =	vld [tilespmem:s22+$0x20];
	v52 =	vbroadcast v1, $0x7;
	v7 =	vmul.f32 v49, v12;
	[tilespmem:s22+$0xFFFFFFD0] =	vst v6  }
0x34: {  	v54 =	vld [tilespmem:s22+$0x30];
	v59 =	vmul.f32 v51, v55;
	[tilespmem:s22+$0xFFFFFFC0] =	vst v2;
	v2 =	vbroadcast v1, $0x8  }
0x35: {  	v56 =	vld [tilespmem:s22+$0x40];
	v62 =	vbroadcast v1, $0xD;
	v4 =	vmul.f32 v11, v52;
	[tilespmem:s22+$0xFFFFFFE0] =	vst v7  }
0x36: {  	v60 =	vld [tilespmem:s22+$0x60];
	v58 =	vbroadcast v1, $0xA;
	[tilespmem:s22+$0x10] =	vst v59;
	v2 =	vmul.f32 v3, v2  }
0x37: {  	v61 =	vld [tilespmem:s22+$0x70];
	v5 =	vmul.f32 v57, v62;
	[tilespmem:s22+$0xFFFFFFF0] =	vst v4;
	v3 =	vbroadcast v1, $0xB  }
0x38: {  	v8 =	vmul.f32 v53, v58;
	[tilespmem:s22+$0x0] =	vst v2;
	v2 =	vbroadcast v1, $0xC  }
0x39: {  	v63 =	vbroadcast v1, $0xE;
	[tilespmem:s22+$0x50] =	vst v5;
	v3 =	vmul.f32 v54, v3  }
0x3a: {  	[tilespmem:s22+$0x20] =	vst v8;
	v1 =	vbroadcast v1, $0xF;
	v2 =	vmul.f32 v56, v2  }
0x3b: {  	[tilespmem:s22+$0x30] =	vst v3;
	v3 =	vmul.f32 v60, v63  }
0x3c: {  	v1 =	vmul.f32 v61, v1;
	[tilespmem:s22+$0x40] =	vst v2  }
0x3d: {  	[tilespmem:s22+$0x60] =	vst v3  }
0x3e: {  	s24 =	simm.s32 $0x10;
	s23 =	simm.s32 $0x80;
	[tilespmem:s22+$0x70] =	vst v1  }
.LBB2_3:
0x3f: {  	p0 =	sne.s32 s23, $0x1C0;
	v1 =	vld.idx.msk [tilespmem:v0+s24+$0x0 ss:$0x1], $0xffff;
	s22 =	sadd.s32 $0x100, s22  }
0x40: {  	v2 =	vld [tilespmem:s22+$0xFFFFFFB0]  }
0x41: {  	v3 =	vld [tilespmem:s22+$0xFFFFFF90]  }
0x42: {  	v4 =	vld [tilespmem:s22+$0xFFFFFF80]  }
0x43: {  	v5 =	vld [tilespmem:s22+$0xFFFFFFA0]  }
0x44: {  	v6 =	vld [tilespmem:s22+$0xFFFFFFF0]  }
0x45: {  	v7 =	vbroadcast v1, $0x0;
	v8 =	vbroadcast v1, $0x1;
	v9 =	vld [tilespmem:s22+$0xFFFFFFD0]  }
0x46: {  	v10 =	vbroadcast v1, $0x2;
	v11 =	vbroadcast v1, $0x3;
	v12 =	vld [tilespmem:s22+$0xFFFFFFC0]  }
0x47: {  	v3 =	vmul.f32 v3, v8;
	v4 =	vmul.f32 v7, v4;
	v7 =	vld [tilespmem:s22+$0xFFFFFFE0]  }
0x48: {  	v2 =	vmul.f32 v2, v11;
	v5 =	vmul.f32 v5, v10;
	v8 =	vld [tilespmem:s22+$0x30]  }
0x49: {  	v10 =	vbroadcast v1, $0x5;
	[tilespmem:s22+$0xFFFFFF80] =	vst v4;
	v4 =	vbroadcast v1, $0x4;
	v11 =	vld [tilespmem:s22+$0x10]  }
0x4a: {  	v13 =	vbroadcast v1, $0x7;
	[tilespmem:s22+$0xFFFFFF90] =	vst v3;
	v3 =	vbroadcast v1, $0x6;
	v14 =	vld [tilespmem:s22+$0x0]  }
0x4b: {  	[tilespmem:s22+$0xFFFFFFA0] =	vst v5;
	v4 =	vmul.f32 v12, v4;
	v5 =	vmul.f32 v9, v10;
	v9 =	vld [tilespmem:s22+$0x20]  }
0x4c: {  	[tilespmem:s22+$0xFFFFFFB0] =	vst v2;
	v2 =	vmul.f32 v7, v3;
	v3 =	vmul.f32 v6, v13;
	v6 =	vld [tilespmem:s22+$0x70]  }
0x4d: {  	v7 =	vbroadcast v1, $0x9;
	[tilespmem:s22+$0xFFFFFFC0] =	vst v4;
	v4 =	vbroadcast v1, $0x8;
	v10 =	vld [tilespmem:s22+$0x50]  }
0x4e: {  	v12 =	vbroadcast v1, $0xB;
	[tilespmem:s22+$0xFFFFFFD0] =	vst v5;
	v5 =	vbroadcast v1, $0xA;
	v13 =	vld [tilespmem:s22+$0x40]  }
0x4f: {  	[tilespmem:s22+$0xFFFFFFE0] =	vst v2;
	v2 =	vmul.f32 v14, v4;
	v4 =	vmul.f32 v11, v7;
	v7 =	vld [tilespmem:s22+$0x60]  }
0x50: {  	[tilespmem:s22+$0xFFFFFFF0] =	vst v3;
	v3 =	vmul.f32 v9, v5;
	v5 =	vmul.f32 v8, v12  }
0x51: {  	v8 =	vbroadcast v1, $0xD;
	[tilespmem:s22+$0x0] =	vst v2;
	v2 =	vbroadcast v1, $0xC  }
0x52: {  	[tilespmem:s22+$0x10] =	vst v4;
	v4 =	vbroadcast v1, $0xE;
	v1 =	vbroadcast v1, $0xF  }
0x53: {  	[tilespmem:s22+$0x20] =	vst v3;
	v2 =	vmul.f32 v13, v2;
	v3 =	vmul.f32 v10, v8  }
.Ltmp0:
0x54: {  	[tilespmem:s22+$0x30] =	vst v5;
	v4 =	vmul.f32 v7, v4;
	v1 =	vmul.f32 v6, v1;
	(pc) =	sbr.rel @p0 .LBB2_3-.Ltmp0, $4  }
0x55: {  	[tilespmem:s22+$0x40] =	vst v2  }
0x56: {  	[tilespmem:s22+$0x50] =	vst v3  }
0x57: {  	[tilespmem:s22+$0x60] =	vst v4  }
0x58: {  	s24 =	sshra.s32 s23, $0x2;
	s23 =	sadd.s32 $0x40, s23;
	[tilespmem:s22+$0x70] =	vst v1  }
0x59: {  	_ =	sdelay $0x3  }
0x5a: {  	v0 =	vld.idx.msk [tilespmem:v0+s24+$0x0 ss:$0x1], $0xffff;
	_ =	sdelay $0x3  }
0x5b: {  	s22 =	sadd.s32 $0x100, s22  }
0x5c: {  	v1 =	vld [tilespmem:s22+$0xFFFFFF80];
	v5 =	vbroadcast v0, $0x0  }
0x5d: {  	v2 =	vld [tilespmem:s22+$0xFFFFFF90];
	v6 =	vbroadcast v0, $0x1;
	v9 =	vbroadcast v0, $0x2  }
0x5e: {  	v3 =	vld [tilespmem:s22+$0xFFFFFFA0];
	v42 =	vbroadcast v0, $0x3;
	v44 =	vbroadcast v0, $0x4  }
0x5f: {  	v4 =	vld [tilespmem:s22+$0xFFFFFFB0];
	v45 =	vbroadcast v0, $0x5;
	v11 =	vbroadcast v0, $0x6  }
0x60: {  	v8 =	vld [tilespmem:s22+$0xFFFFFFD0];
	v48 =	vbroadcast v0, $0x7;
	v51 =	vbroadcast v0, $0x8  }
0x61: {  	v43 =	vld [tilespmem:s22+$0xFFFFFFE0];
	v52 =	vbroadcast v0, $0x9;
	v1 =	vmul.f32 v5, v1  }
0x62: {  	v47 =	vld [tilespmem:s22+$0x10];
	v55 =	vbroadcast v0, $0xA;
	v2 =	vmul.f32 v2, v6  }
0x63: {  	v58 =	vld [tilespmem:s22+$0x60];
	v56 =	vbroadcast v0, $0xB;
	v3 =	vmul.f32 v3, v9;
	[tilespmem:s22+$0xFFFFFF80] =	vst v1  }
0x64: {  	v59 =	vld [tilespmem:s22+$0x70];
	v60 =	vbroadcast v0, $0xC;
	v4 =	vmul.f32 v4, v42;
	[tilespmem:s22+$0xFFFFFF90] =	vst v2  }
0x65: {  	v7 =	vld [tilespmem:s22+$0xFFFFFFC0];
	v61 =	vbroadcast v0, $0xD;
	v5 =	vmul.f32 v8, v45;
	[tilespmem:s22+$0xFFFFFFA0] =	vst v3  }
0x66: {  	v10 =	vld [tilespmem:s22+$0xFFFFFFF0];
	v62 =	vbroadcast v0, $0xE;
	v6 =	vmul.f32 v43, v11;
	[tilespmem:s22+$0xFFFFFFB0] =	vst v4  }
0x67: {  	v49 =	vld [tilespmem:s22+$0x20];
	v0 =	vbroadcast v0, $0xF;
	v57 =	vmul.f32 v47, v52;
	[tilespmem:s22+$0xFFFFFFD0] =	vst v5  }
0x68: {  	v50 =	vld [tilespmem:s22+$0x30];
	v63 =	vmul.f32 v58, v62;
	[tilespmem:s22+$0xFFFFFFE0] =	vst v6  }
0x69: {  	v46 =	vld [tilespmem:s22+$0x0];
	v0 =	vmul.f32 v59, v0;
	[tilespmem:s22+$0x10] =	vst v57  }
0x6a: {  	v54 =	vld [tilespmem:s22+$0x50];
	v1 =	vmul.f32 v7, v44;
	[tilespmem:s22+$0x60] =	vst v63  }
0x6b: {  	v53 =	vld [tilespmem:s22+$0x40];
	v3 =	vmul.f32 v10, v48;
	[tilespmem:s22+$0x70] =	vst v0  }
0x6c: {  	v7 =	vmul.f32 v49, v55;
	[tilespmem:s22+$0xFFFFFFC0] =	vst v1  }
0x6d: {  	v2 =	vmul.f32 v50, v56;
	[tilespmem:s22+$0xFFFFFFF0] =	vst v3  }
0x6e: {  	v1 =	vmul.f32 v46, v51;
	[tilespmem:s22+$0x20] =	vst v7  }
0x6f: {  	v4 =	vmul.f32 v54, v61;
	[tilespmem:s22+$0x30] =	vst v2  }
0x70: {  	s20 =	sadd.s32 $0x1, s20;
	[tilespmem:s22+$0x0] =	vst v1;
	v1 =	vmul.f32 v53, v60  }
0x71: {  	p0 =	sne.s32 s20, $0x50;
	[tilespmem:s22+$0x50] =	vst v4  }
.Ltmp1:
0x72: {  	s21 =	sadd.s32 $0x4F80, s21;
	[tilespmem:s22+$0x40] =	vst v1;
	(pc) =	sbr.rel @p0 .LBB2_2-.Ltmp1, $4  }
0x73: {  	[spmem:s2] =	stream.indirect.scatter.add.f32 [tilespmem:s17], [sflag:$0x1], $0x10, s21, s16, $0xb8;
	[tilespmem:$0xA780] =	vst v63  }
0x74: {  	_ =	swait.ge [sflag:s13], $0x800  }
0x75: {  	[sflag:s13] =	ssyncset.done $0x0  }
0x76: {  	s19 =	sadd.s32 $0x80, s19;
	[sflag:s13] =	ssyncadd.s32 $0xFFFFF800  }
0x77: {  	s18 =	sadd.s32 $0x1, s18  }
0x78: {  	p0 =	sne.s32 s18, s11  }
.Ltmp2:
0x79: {  	[bflag:$0x0] =	sbarrier.arrive $0xFFFF;
	(pc) =	sbr.rel @p0 .LBB2_1-.Ltmp2, $4  }
0x7a: {  	[hbm:s10], [sflag:s6] =	dma.local [spmem:s12], $0x4F0  }
0x7b: {  	_ =	swait.ge [sflag:s13], $0x4F0  }
0x7c: {  	[sflag:s13] =	ssyncset.done $0x0  }
0x7d: {  	[sflag:s13] =	ssyncadd.s32 $0xFFFFFB10  }
0x7e: {  	_ =	sfence.sel $0x180000  }
0x7f: {  	[bflag:$0x0] =	sbarrier.arrive $0xFFFF  }
0x80: {  	p0 =	sne.s32 s0, $0x0;
	_ =	strace $0x90000047  }
0x81: {  	s0 =	sadd.s32 @!p0 $0x100000, s1;
	[bflag:$0x2] =	sbarrier.arrive $0xFFFF  }
0x82: {  	[sflag:s0] =	ssyncadd.tile.s32 @!p0 $0x1;
	_ =	shalt  }
.Lfunc_end2:
_tile_overlayer_lowered:
.L_overlay_start_2:
0x83: {  	(tag) =	ssettag $0x2  }
0x84: {  	s0 =	rddreg [dreg:$0x0];
	s2 =	stileid.u32  }
0x85: {  	s1 =	rddreg [dreg:$0x1];
	p0 =	sne.s32 s2, $0x0  }
0x86: {  	s3 =	rddreg [dreg:$0x2];
	[bflag:$0x3] =	sbarrier.arrive $0xFFFF;
	s2 =	simm.s32 @!p0 $0x1C01  }
0x87: {  	[timem:s3], [sflag:s2] =	dma.local @!p0 [hbm:s0], s1  }
0x88: {  	s0 =	simm.s32 @!p0 $0x1  }
0x89: {  	_ =	swait.ge @!p0 [sflag:s0], s1  }
0x8a: {  	s1 =	ssub.s32 @!p0 $0x0, s1;
	[sflag:s0] =	ssyncset.done @!p0 $0x0  }
0x8b: {  	[sflag:s0] =	ssyncadd.s32 @!p0 s1  }
0x8c: {  	[bflag:$0x3] =	sbarrier.arrive $0xFFFF  }
0x8d: {  	_ =	shalt  }

</sc_bundles>
